<compile_context>
chip_gen: v7x
topology: tpu7x:2x2x1
jax: 0.10.2.dev20260603
libtpu: 0.0.44.dev20260713+nightly
codegen_flags: <defaults>
</compile_context>

<pallas_src>
import functools

import jax
import jax.numpy as jnp
from jax import lax
from jax.experimental import pallas as pl
from jax.experimental.pallas import tpu as pltpu
from jax.experimental.pallas import tpu_sc as plsc

D = 384
K = 8192
BK = 8192
CCW = (0.05, 0.25, 0.6)

NC = 2
NS = 16
NW = NC * NS

_DOT_DTYPE = jnp.bfloat16


def _argmin_body(ids_ref, zb2_ref, znorm_ref, cb_ref, cbnorm_ref,
                 idx_ref, part_ref):
    cbb = cb_ref[...].astype(_DOT_DTYPE)
    m2 = lax.dot_general(zb2_ref[...], cbb, (((1,), (1,)), ((), ())),
                         preferred_element_type=jnp.float32)
    dist = (znorm_ref[...] + m2) + cbnorm_ref[...]
    m = jnp.min(dist, axis=1, keepdims=True)
    loc = jnp.min(jnp.where(dist == m, ids_ref[...], K),
                  axis=1, keepdims=True)
    idx_ref[...] = loc
    part_ref[...] = jnp.sum(m, keepdims=True)[None]


def _argmin_call(ids, zb2, znorm, cb, cbnorm, interpret=False):
    n = zb2.shape[0]
    bn = min(n, 1024)
    nrb = n // bn
    return pl.pallas_call(
        _argmin_body,
        grid=(nrb,),
        in_specs=[
            pl.BlockSpec((1, K), lambda r: (0, 0)),
            pl.BlockSpec((bn, D), lambda r: (r, 0)),
            pl.BlockSpec((bn, 1), lambda r: (r, 0)),
            pl.BlockSpec((K, D), lambda r: (0, 0)),
            pl.BlockSpec((1, K), lambda r: (0, 0)),
        ],
        out_specs=[
            pl.BlockSpec((bn, 1), lambda r: (r, 0)),
            pl.BlockSpec((1, 1, 1), lambda r: (r, 0, 0)),
        ],
        out_shape=[
            jax.ShapeDtypeStruct((n, 1), jnp.int32),
            jax.ShapeDtypeStruct((nrb, 1, 1), jnp.float32),
        ],
        interpret=interpret,
    )(ids, zb2, znorm, cb, cbnorm)


@functools.lru_cache(maxsize=None)
def _make_gather(n):
    b_per_w = n // NW
    mesh = plsc.VectorSubcoreMesh(core_axis_name="c", subcore_axis_name="s")

    @functools.partial(
        pl.kernel,
        mesh=mesh,
        out_type=jax.ShapeDtypeStruct((n, D), jnp.float32),
        scratch_types=[
            pltpu.VMEM((b_per_w,), jnp.int32),
            pltpu.VMEM((b_per_w, D), jnp.float32),
            pltpu.SemaphoreType.DMA,
        ],
    )
    def gather(cb_hbm, idx_hbm, out_hbm, idx_v, rows_v, sem):
        wid = lax.axis_index("s") * NC + lax.axis_index("c")
        base = wid * b_per_w
        pltpu.sync_copy(idx_hbm.at[pl.ds(base, b_per_w)], idx_v)
        pltpu.async_copy(cb_hbm.at[idx_v], rows_v, sem).wait()
        pltpu.sync_copy(rows_v, out_hbm.at[pl.ds(base, b_per_w)])

    return gather


def kernel(l0, l1, l2, cb0, cb1, cb2):
    ids = jnp.arange(K, dtype=jnp.int32)[None, :]
    out = []
    for i, (z, cb) in enumerate(((l0, cb0), (l1, cb1), (l2, cb2))):
        flat = z.reshape(-1, D)
        n = flat.shape[0]
        znorm = jnp.sum(flat ** 2, axis=1, keepdims=True)
        cbnorm = jnp.sum(cb ** 2, axis=1)[None, :]
        zb2 = (-2.0 * flat).astype(_DOT_DTYPE)
        idx2d, part = _argmin_call(ids, zb2, znorm, cb, cbnorm)
        idx = idx2d.reshape(z.shape[:-1])
        q = _make_gather(n)(cb, idx2d.reshape(-1)).reshape(z.shape)
        loss = jnp.float32(CCW[i]) * (jnp.sum(part) / jnp.float32(n * D))
        out.append((idx, loss, q))
    (idx0, loss0, q0), (idx1, loss1, q1), (idx2_, loss2, q2) = out
    total = loss0 + loss1 + loss2
    return (idx0, idx1, idx2_, total, q0, q1, q2)

# --- scband reference (transcript-rebuilt; emitter-appended) ---
"""Pipeline reference for scband-spatial-hrvqtokenizer-15908558865671 (READ-ONLY COPY).

The authoritative reference and input builder live on the scoring server;
editing this copy changes nothing except your own understanding.
"""

import jax, jax.numpy as jnp
import numpy as np

B = 256
D = 384
K = 8192
CC = [0.05, 0.25, 0.6]


def setup_inputs(seed: int = 0):
    key = jax.random.key(seed)
    ks = jax.random.split(key, 6)
    l0 = jax.random.normal(ks[0], (B, 4, D), dtype=jnp.float32)
    l1 = jax.random.normal(ks[1], (B, 16, D), dtype=jnp.float32)
    l2 = jax.random.normal(ks[2], (B, 16, D), dtype=jnp.float32)
    cb0 = jax.random.normal(ks[3], (K, D), dtype=jnp.float32) * 0.02
    cb1 = jax.random.normal(ks[4], (K, D), dtype=jnp.float32) * 0.02
    cb2 = jax.random.normal(ks[5], (K, D), dtype=jnp.float32) * 0.02
    return {"l0": l0, "l1": l1, "l2": l2, "cb0": cb0, "cb1": cb1, "cb2": cb2}


def _vq(z, codebook, commitment_cost):
    # standard EMA VQ-VAE quantizer: nearest-neighbor assignment by L2 distance,
    # commitment loss only (codebook updated by EMA), straight-through estimator.
    flat = z.reshape(-1, z.shape[-1])
    dist = (jnp.sum(flat ** 2, axis=1, keepdims=True)
            - 2.0 * flat @ codebook.T
            + jnp.sum(codebook ** 2, axis=1)[None, :])
    idx = jnp.argmin(dist, axis=1)
    q = jnp.take(codebook, idx, axis=0).reshape(z.shape)
    e_latent_loss = jnp.mean((jax.lax.stop_gradient(q) - z) ** 2)
    loss = commitment_cost * e_latent_loss
    q_st = z + jax.lax.stop_gradient(q - z)
    return q_st, loss, idx.reshape(z.shape[:-1])


def reference(l0, l1, l2, cb0, cb1, cb2):
    q0, loss0, idx0 = _vq(l0, cb0, CC[0])
    q1, loss1, idx1 = _vq(l1, cb1, CC[1])
    q2, loss2, idx2 = _vq(l2, cb2, CC[2])
    total_vq_loss = loss0 + loss1 + loss2
    # token_dict indices, total loss, quantized embeddings per level
    return (idx0, idx1, idx2, total_vq_loss, q0, q1, q2)

if __name__ == "__main__":
    import jax
    _d = setup_inputs()
    print(jax.jit(kernel)(*tuple(_d.values())))

</pallas_src>

<mosaic_0001>
#map = affine_map<(d0, d1) -> (0, 0)>
#map1 = affine_map<(d0, d1) -> (0)>
module attributes {stable_mosaic.version = 14 : i64} {
  func.func @gather(%arg0: i32, %arg1: i32, %arg2: memref<8192x384xf32, #tpu.memory_space<hbm>>, %arg3: memref<1024xi32, #tpu.memory_space<hbm>>, %arg4: memref<1024x384xf32, #tpu.memory_space<hbm>>, %arg5: memref<32xi32, #tpu.memory_space<vmem>>, %arg6: memref<32x384xf32, #tpu.memory_space<vmem>>, %arg7: memref<!tpu.dma_semaphore, #tpu.memory_space<semaphore_mem>>) attributes {dimension_semantics = [#tpu.dimension_semantics<core_parallel>, #tpu.dimension_semantics<subcore_parallel>], iteration_bounds = array<i64: 2, 16>, scalar_prefetch = 0 : i64, scratch_operands = 3 : i64, tpu.core_type = #tpu.core_type<sc_vector_subcore>, window_params = [{transform_indices = #map}, {transform_indices = #map1}, {transform_indices = #map}]} {
    %mul3A = arith.constant 2 : i32
    %mul3A_0 = arith.muli %arg1, %mul3A : i32
    %add3A = arith.addi %mul3A_0, %arg0 : i32
    %mul3A_1 = arith.constant 32 : i32
    %mul3A_2 = arith.muli %add3A, %mul3A_1 : i32
    "tpu.region"() ({
      %run_scoped3A = tpu.sem_alloc : memref<!tpu.dma_semaphore, #tpu.memory_space<semaphore_mem>>
      %dma_start3A_7 = tpu.memref_slice %arg3[%mul3A_2] : memref<1024xi32, #tpu.memory_space<hbm>> -> memref<32xi32, #tpu.memory_space<hbm>>
      %dma_start3A_8 = tpu.memref_slice %arg3[%mul3A_2] : memref<1024xi32, #tpu.memory_space<hbm>> -> memref<32xi32, #tpu.memory_space<hbm>>
      tpu.enqueue_dma source(%dma_start3A_8 : memref<32xi32, #tpu.memory_space<hbm>>) target(%arg5 : memref<32xi32, #tpu.memory_space<vmem>>) target_semaphore(%run_scoped3A : memref<!tpu.dma_semaphore, #tpu.memory_space<semaphore_mem>>)
      %dma_wait3A_9 = tpu.memref_slice %arg3[%mul3A_2] : memref<1024xi32, #tpu.memory_space<hbm>> -> memref<32xi32, #tpu.memory_space<hbm>>
      %dma_wait3A_10 = tpu.memref_slice %arg3[%mul3A_2] : memref<1024xi32, #tpu.memory_space<hbm>> -> memref<32xi32, #tpu.memory_space<hbm>>
      tpu.wait_dma2 semaphore(%run_scoped3A : memref<!tpu.dma_semaphore, #tpu.memory_space<semaphore_mem>>) src(%dma_wait3A_10 : memref<32xi32, #tpu.memory_space<hbm>>) dst(%arg5 : memref<32xi32, #tpu.memory_space<vmem>>)
      tpu.yield
    }) : () -> ()
    %dma_start3A = arith.constant 0 : i32
    %dma_start3A_3 = arith.constant 0 : i32
    %dma_start3A_4 = tpu.memref_slice %arg2[%dma_start3A, %dma_start3A_3] : memref<8192x384xf32, #tpu.memory_space<hbm>> -> memref<8192x384xf32, #tpu.memory_space<hbm>>
    tpu.enqueue_indirect_dma source(%dma_start3A_4 : memref<8192x384xf32, #tpu.memory_space<hbm>>) target(%arg6 : memref<32x384xf32, #tpu.memory_space<vmem>>) offsets(%arg5 : memref<32xi32, #tpu.memory_space<vmem>>) semaphore(%arg7 : memref<!tpu.dma_semaphore, #tpu.memory_space<semaphore_mem>>)
    %dma_wait3A = arith.constant 0 : i32
    %dma_wait3A_5 = arith.constant 0 : i32
    %dma_wait3A_6 = tpu.memref_slice %arg2[%dma_wait3A, %dma_wait3A_5] : memref<8192x384xf32, #tpu.memory_space<hbm>> -> memref<8192x384xf32, #tpu.memory_space<hbm>>
    tpu.wait_indirect_dma semaphore(%arg7 : memref<!tpu.dma_semaphore, #tpu.memory_space<semaphore_mem>>) src(%dma_wait3A_6 : memref<8192x384xf32, #tpu.memory_space<hbm>>) dst(%arg6 : memref<32x384xf32, #tpu.memory_space<vmem>>)
    "tpu.region"() ({
      %run_scoped3A = tpu.sem_alloc : memref<!tpu.dma_semaphore, #tpu.memory_space<semaphore_mem>>
      %dma_start3A_7 = arith.constant 0 : i32
      %dma_start3A_8 = tpu.memref_slice %arg4[%mul3A_2, %dma_start3A_7] : memref<1024x384xf32, #tpu.memory_space<hbm>> -> memref<32x384xf32, #tpu.memory_space<hbm>>
      %dma_start3A_9 = arith.constant 0 : i32
      %dma_start3A_10 = tpu.memref_slice %arg4[%mul3A_2, %dma_start3A_9] : memref<1024x384xf32, #tpu.memory_space<hbm>> -> memref<32x384xf32, #tpu.memory_space<hbm>>
      tpu.enqueue_dma source(%arg6 : memref<32x384xf32, #tpu.memory_space<vmem>>) target(%dma_start3A_10 : memref<32x384xf32, #tpu.memory_space<hbm>>) target_semaphore(%run_scoped3A : memref<!tpu.dma_semaphore, #tpu.memory_space<semaphore_mem>>)
      %dma_wait3A_11 = arith.constant 0 : i32
      %dma_wait3A_12 = tpu.memref_slice %arg4[%mul3A_2, %dma_wait3A_11] : memref<1024x384xf32, #tpu.memory_space<hbm>> -> memref<32x384xf32, #tpu.memory_space<hbm>>
      %dma_wait3A_13 = arith.constant 0 : i32
      %dma_wait3A_14 = tpu.memref_slice %arg4[%mul3A_2, %dma_wait3A_13] : memref<1024x384xf32, #tpu.memory_space<hbm>> -> memref<32x384xf32, #tpu.memory_space<hbm>>
      tpu.wait_dma2 semaphore(%run_scoped3A : memref<!tpu.dma_semaphore, #tpu.memory_space<semaphore_mem>>) src(%arg6 : memref<32x384xf32, #tpu.memory_space<vmem>>) dst(%dma_wait3A_14 : memref<32x384xf32, #tpu.memory_space<hbm>>)
      tpu.yield
    }) : () -> ()
    return
  }
}

#map = affine_map<(d0, d1) -> (0, 0)>
#map1 = affine_map<(d0, d1) -> (0)>
module attributes {stable_mosaic.version = 14 : i64} {
  func.func @gather(%arg0: i32, %arg1: i32, %arg2: memref<8192x384xf32, #tpu.memory_space<hbm>>, %arg3: memref<4096xi32, #tpu.memory_space<hbm>>, %arg4: memref<4096x384xf32, #tpu.memory_space<hbm>>, %arg5: memref<128xi32, #tpu.memory_space<vmem>>, %arg6: memref<128x384xf32, #tpu.memory_space<vmem>>, %arg7: memref<!tpu.dma_semaphore, #tpu.memory_space<semaphore_mem>>) attributes {dimension_semantics = [#tpu.dimension_semantics<core_parallel>, #tpu.dimension_semantics<subcore_parallel>], iteration_bounds = array<i64: 2, 16>, scalar_prefetch = 0 : i64, scratch_operands = 3 : i64, tpu.core_type = #tpu.core_type<sc_vector_subcore>, window_params = [{transform_indices = #map}, {transform_indices = #map1}, {transform_indices = #map}]} {
    %mul3A = arith.constant 2 : i32
    %mul3A_0 = arith.muli %arg1, %mul3A : i32
    %add3A = arith.addi %mul3A_0, %arg0 : i32
    %mul3A_1 = arith.constant 128 : i32
    %mul3A_2 = arith.muli %add3A, %mul3A_1 : i32
    "tpu.region"() ({
      %run_scoped3A = tpu.sem_alloc : memref<!tpu.dma_semaphore, #tpu.memory_space<semaphore_mem>>
      %dma_start3A_7 = tpu.memref_slice %arg3[%mul3A_2] : memref<4096xi32, #tpu.memory_space<hbm>> -> memref<128xi32, #tpu.memory_space<hbm>>
      %dma_start3A_8 = tpu.memref_slice %arg3[%mul3A_2] : memref<4096xi32, #tpu.memory_space<hbm>> -> memref<128xi32, #tpu.memory_space<hbm>>
      tpu.enqueue_dma source(%dma_start3A_8 : memref<128xi32, #tpu.memory_space<hbm>>) target(%arg5 : memref<128xi32, #tpu.memory_space<vmem>>) target_semaphore(%run_scoped3A : memref<!tpu.dma_semaphore, #tpu.memory_space<semaphore_mem>>)
      %dma_wait3A_9 = tpu.memref_slice %arg3[%mul3A_2] : memref<4096xi32, #tpu.memory_space<hbm>> -> memref<128xi32, #tpu.memory_space<hbm>>
      %dma_wait3A_10 = tpu.memref_slice %arg3[%mul3A_2] : memref<4096xi32, #tpu.memory_space<hbm>> -> memref<128xi32, #tpu.memory_space<hbm>>
      tpu.wait_dma2 semaphore(%run_scoped3A : memref<!tpu.dma_semaphore, #tpu.memory_space<semaphore_mem>>) src(%dma_wait3A_10 : memref<128xi32, #tpu.memory_space<hbm>>) dst(%arg5 : memref<128xi32, #tpu.memory_space<vmem>>)
      tpu.yield
    }) : () -> ()
    %dma_start3A = arith.constant 0 : i32
    %dma_start3A_3 = arith.constant 0 : i32
    %dma_start3A_4 = tpu.memref_slice %arg2[%dma_start3A, %dma_start3A_3] : memref<8192x384xf32, #tpu.memory_space<hbm>> -> memref<8192x384xf32, #tpu.memory_space<hbm>>
    tpu.enqueue_indirect_dma source(%dma_start3A_4 : memref<8192x384xf32, #tpu.memory_space<hbm>>) target(%arg6 : memref<128x384xf32, #tpu.memory_space<vmem>>) offsets(%arg5 : memref<128xi32, #tpu.memory_space<vmem>>) semaphore(%arg7 : memref<!tpu.dma_semaphore, #tpu.memory_space<semaphore_mem>>)
    %dma_wait3A = arith.constant 0 : i32
    %dma_wait3A_5 = arith.constant 0 : i32
    %dma_wait3A_6 = tpu.memref_slice %arg2[%dma_wait3A, %dma_wait3A_5] : memref<8192x384xf32, #tpu.memory_space<hbm>> -> memref<8192x384xf32, #tpu.memory_space<hbm>>
    tpu.wait_indirect_dma semaphore(%arg7 : memref<!tpu.dma_semaphore, #tpu.memory_space<semaphore_mem>>) src(%dma_wait3A_6 : memref<8192x384xf32, #tpu.memory_space<hbm>>) dst(%arg6 : memref<128x384xf32, #tpu.memory_space<vmem>>)
    "tpu.region"() ({
      %run_scoped3A = tpu.sem_alloc : memref<!tpu.dma_semaphore, #tpu.memory_space<semaphore_mem>>
      %dma_start3A_7 = arith.constant 0 : i32
      %dma_start3A_8 = tpu.memref_slice %arg4[%mul3A_2, %dma_start3A_7] : memref<4096x384xf32, #tpu.memory_space<hbm>> -> memref<128x384xf32, #tpu.memory_space<hbm>>
      %dma_start3A_9 = arith.constant 0 : i32
      %dma_start3A_10 = tpu.memref_slice %arg4[%mul3A_2, %dma_start3A_9] : memref<4096x384xf32, #tpu.memory_space<hbm>> -> memref<128x384xf32, #tpu.memory_space<hbm>>
      tpu.enqueue_dma source(%arg6 : memref<128x384xf32, #tpu.memory_space<vmem>>) target(%dma_start3A_10 : memref<128x384xf32, #tpu.memory_space<hbm>>) target_semaphore(%run_scoped3A : memref<!tpu.dma_semaphore, #tpu.memory_space<semaphore_mem>>)
      %dma_wait3A_11 = arith.constant 0 : i32
      %dma_wait3A_12 = tpu.memref_slice %arg4[%mul3A_2, %dma_wait3A_11] : memref<4096x384xf32, #tpu.memory_space<hbm>> -> memref<128x384xf32, #tpu.memory_space<hbm>>
      %dma_wait3A_13 = arith.constant 0 : i32
      %dma_wait3A_14 = tpu.memref_slice %arg4[%mul3A_2, %dma_wait3A_13] : memref<4096x384xf32, #tpu.memory_space<hbm>> -> memref<128x384xf32, #tpu.memory_space<hbm>>
      tpu.wait_dma2 semaphore(%run_scoped3A : memref<!tpu.dma_semaphore, #tpu.memory_space<semaphore_mem>>) src(%arg6 : memref<128x384xf32, #tpu.memory_space<vmem>>) dst(%dma_wait3A_14 : memref<128x384xf32, #tpu.memory_space<hbm>>)
      tpu.yield
    }) : () -> ()
    return
  }
}

#map = affine_map<(d0, d1) -> (0, 0)>
#map1 = affine_map<(d0, d1) -> (0)>
module attributes {stable_mosaic.version = 14 : i64} {
  func.func @gather(%arg0: i32, %arg1: i32, %arg2: memref<8192x384xf32, #tpu.memory_space<hbm>>, %arg3: memref<4096xi32, #tpu.memory_space<hbm>>, %arg4: memref<4096x384xf32, #tpu.memory_space<hbm>>, %arg5: memref<128xi32, #tpu.memory_space<vmem>>, %arg6: memref<128x384xf32, #tpu.memory_space<vmem>>, %arg7: memref<!tpu.dma_semaphore, #tpu.memory_space<semaphore_mem>>) attributes {dimension_semantics = [#tpu.dimension_semantics<core_parallel>, #tpu.dimension_semantics<subcore_parallel>], iteration_bounds = array<i64: 2, 16>, scalar_prefetch = 0 : i64, scratch_operands = 3 : i64, tpu.core_type = #tpu.core_type<sc_vector_subcore>, window_params = [{transform_indices = #map}, {transform_indices = #map1}, {transform_indices = #map}]} {
    %mul3A = arith.constant 2 : i32
    %mul3A_0 = arith.muli %arg1, %mul3A : i32
    %add3A = arith.addi %mul3A_0, %arg0 : i32
    %mul3A_1 = arith.constant 128 : i32
    %mul3A_2 = arith.muli %add3A, %mul3A_1 : i32
    "tpu.region"() ({
      %run_scoped3A = tpu.sem_alloc : memref<!tpu.dma_semaphore, #tpu.memory_space<semaphore_mem>>
      %dma_start3A_7 = tpu.memref_slice %arg3[%mul3A_2] : memref<4096xi32, #tpu.memory_space<hbm>> -> memref<128xi32, #tpu.memory_space<hbm>>
      %dma_start3A_8 = tpu.memref_slice %arg3[%mul3A_2] : memref<4096xi32, #tpu.memory_space<hbm>> -> memref<128xi32, #tpu.memory_space<hbm>>
      tpu.enqueue_dma source(%dma_start3A_8 : memref<128xi32, #tpu.memory_space<hbm>>) target(%arg5 : memref<128xi32, #tpu.memory_space<vmem>>) target_semaphore(%run_scoped3A : memref<!tpu.dma_semaphore, #tpu.memory_space<semaphore_mem>>)
      %dma_wait3A_9 = tpu.memref_slice %arg3[%mul3A_2] : memref<4096xi32, #tpu.memory_space<hbm>> -> memref<128xi32, #tpu.memory_space<hbm>>
      %dma_wait3A_10 = tpu.memref_slice %arg3[%mul3A_2] : memref<4096xi32, #tpu.memory_space<hbm>> -> memref<128xi32, #tpu.memory_space<hbm>>
      tpu.wait_dma2 semaphore(%run_scoped3A : memref<!tpu.dma_semaphore, #tpu.memory_space<semaphore_mem>>) src(%dma_wait3A_10 : memref<128xi32, #tpu.memory_space<hbm>>) dst(%arg5 : memref<128xi32, #tpu.memory_space<vmem>>)
      tpu.yield
    }) : () -> ()
    %dma_start3A = arith.constant 0 : i32
    %dma_start3A_3 = arith.constant 0 : i32
    %dma_start3A_4 = tpu.memref_slice %arg2[%dma_start3A, %dma_start3A_3] : memref<8192x384xf32, #tpu.memory_space<hbm>> -> memref<8192x384xf32, #tpu.memory_space<hbm>>
    tpu.enqueue_indirect_dma source(%dma_start3A_4 : memref<8192x384xf32, #tpu.memory_space<hbm>>) target(%arg6 : memref<128x384xf32, #tpu.memory_space<vmem>>) offsets(%arg5 : memref<128xi32, #tpu.memory_space<vmem>>) semaphore(%arg7 : memref<!tpu.dma_semaphore, #tpu.memory_space<semaphore_mem>>)
    %dma_wait3A = arith.constant 0 : i32
    %dma_wait3A_5 = arith.constant 0 : i32
    %dma_wait3A_6 = tpu.memref_slice %arg2[%dma_wait3A, %dma_wait3A_5] : memref<8192x384xf32, #tpu.memory_space<hbm>> -> memref<8192x384xf32, #tpu.memory_space<hbm>>
    tpu.wait_indirect_dma semaphore(%arg7 : memref<!tpu.dma_semaphore, #tpu.memory_space<semaphore_mem>>) src(%dma_wait3A_6 : memref<8192x384xf32, #tpu.memory_space<hbm>>) dst(%arg6 : memref<128x384xf32, #tpu.memory_space<vmem>>)
    "tpu.region"() ({
      %run_scoped3A = tpu.sem_alloc : memref<!tpu.dma_semaphore, #tpu.memory_space<semaphore_mem>>
      %dma_start3A_7 = arith.constant 0 : i32
      %dma_start3A_8 = tpu.memref_slice %arg4[%mul3A_2, %dma_start3A_7] : memref<4096x384xf32, #tpu.memory_space<hbm>> -> memref<128x384xf32, #tpu.memory_space<hbm>>
      %dma_start3A_9 = arith.constant 0 : i32
      %dma_start3A_10 = tpu.memref_slice %arg4[%mul3A_2, %dma_start3A_9] : memref<4096x384xf32, #tpu.memory_space<hbm>> -> memref<128x384xf32, #tpu.memory_space<hbm>>
      tpu.enqueue_dma source(%arg6 : memref<128x384xf32, #tpu.memory_space<vmem>>) target(%dma_start3A_10 : memref<128x384xf32, #tpu.memory_space<hbm>>) target_semaphore(%run_scoped3A : memref<!tpu.dma_semaphore, #tpu.memory_space<semaphore_mem>>)
      %dma_wait3A_11 = arith.constant 0 : i32
      %dma_wait3A_12 = tpu.memref_slice %arg4[%mul3A_2, %dma_wait3A_11] : memref<4096x384xf32, #tpu.memory_space<hbm>> -> memref<128x384xf32, #tpu.memory_space<hbm>>
      %dma_wait3A_13 = arith.constant 0 : i32
      %dma_wait3A_14 = tpu.memref_slice %arg4[%mul3A_2, %dma_wait3A_13] : memref<4096x384xf32, #tpu.memory_space<hbm>> -> memref<128x384xf32, #tpu.memory_space<hbm>>
      tpu.wait_dma2 semaphore(%run_scoped3A : memref<!tpu.dma_semaphore, #tpu.memory_space<semaphore_mem>>) src(%arg6 : memref<128x384xf32, #tpu.memory_space<vmem>>) dst(%dma_wait3A_14 : memref<128x384xf32, #tpu.memory_space<hbm>>)
      tpu.yield
    }) : () -> ()
    return
  }
}

module attributes {stable_mosaic.version = 14 : i64} {
  func.func @_argmin_body(%arg0: i32, %arg1: memref<1x8192xi32, #tpu.memory_space<vmem>>, %arg2: memref<1024x384xbf16, #tpu.memory_space<vmem>>, %arg3: memref<1024x1xf32, #tpu.memory_space<vmem>>, %arg4: memref<8192x384xf32, #tpu.memory_space<vmem>>, %arg5: memref<1x8192xf32, #tpu.memory_space<vmem>>, %arg6: memref<1024x1xi32, #tpu.memory_space<vmem>>, %arg7: memref<1x1x1xf32, #tpu.memory_space<vmem>>) attributes {dimension_semantics = [#tpu.dimension_semantics<arbitrary>], iteration_bounds = array<i64: 1>, scalar_prefetch = 0 : i64, scratch_operands = 0 : i64, tpu.core_type = #tpu.core_type<tc>, window_params = [{pipeline_mode = #tpu.pipeline_mode<synchronous>, transform_indices = @transform_0, window_bounds = array<i64: 1, 8192>}, {transform_indices = @transform_1, window_bounds = array<i64: 1024, 384>}, {transform_indices = @transform_2, window_bounds = array<i64: 1024, 1>}, {pipeline_mode = #tpu.pipeline_mode<synchronous>, transform_indices = @transform_3, window_bounds = array<i64: 8192, 384>}, {pipeline_mode = #tpu.pipeline_mode<synchronous>, transform_indices = @transform_4, window_bounds = array<i64: 1, 8192>}, {transform_indices = @transform_5, window_bounds = array<i64: 1024, 1>}, {transform_indices = @transform_6, window_bounds = array<i64: 1, 1, 1>}]} {
    %get3A = arith.constant 0 : index
    %get3A_0 = arith.constant 0 : index
    %get3A_1 = vector.load %arg4[%get3A, %get3A_0] : memref<8192x384xf32, #tpu.memory_space<vmem>>, vector<8192x384xf32>
    %convert_element_type3A = arith.truncf %get3A_1 : vector<8192x384xf32> to vector<8192x384xbf16>
    %get3A_2 = arith.constant 0 : index
    %get3A_3 = arith.constant 0 : index
    %get3A_4 = vector.load %arg2[%get3A_2, %get3A_3] : memref<1024x384xbf16, #tpu.memory_space<vmem>>, vector<1024x384xbf16>
    %dot_general3A = arith.constant dense<0.000000e+00> : vector<1024x8192xf32>
    %dot_general3A_5 = tpu.matmul %get3A_4, %convert_element_type3A, %dot_general3A {dimension_numbers = #tpu.dot_dimension_numbers<[1], [1], [0], [0], [0, 0, 1, 0], [], []>, transpose_lhs_hint = false} : vector<1024x384xbf16>, vector<8192x384xbf16>, vector<1024x8192xf32> -> vector<1024x8192xf32>
    %get3A_6 = arith.constant 0 : index
    %get3A_7 = arith.constant 0 : index
    %get3A_8 = vector.load %arg3[%get3A_6, %get3A_7] : memref<1024x1xf32, #tpu.memory_space<vmem>>, vector<1024x1xf32>
    %add3A = vector.broadcast %get3A_8 : vector<1024x1xf32> to vector<1024x8192xf32>
    %add3A_9 = arith.addf %add3A, %dot_general3A_5 : vector<1024x8192xf32>
    %get3A_10 = arith.constant 0 : index
    %get3A_11 = arith.constant 0 : index
    %get3A_12 = vector.load %arg5[%get3A_10, %get3A_11] : memref<1x8192xf32, #tpu.memory_space<vmem>>, vector<1x8192xf32>
    %add3A_13 = vector.broadcast %get3A_12 : vector<1x8192xf32> to vector<1024x8192xf32>
    %add3A_14 = arith.addf %add3A_9, %add3A_13 : vector<1024x8192xf32>
    %reduce_min3A = arith.constant dense<0x7F800000> : vector<1024xf32>
    %reduce_min3A_15 = vector.multi_reduction <minimumf>, %add3A_14, %reduce_min3A [1] : vector<1024x8192xf32> to vector<1024xf32>
    %broadcast_in_dim3A = vector.shape_cast %reduce_min3A_15 : vector<1024xf32> to vector<1024x1xf32>
    %eq3A = vector.broadcast %broadcast_in_dim3A : vector<1024x1xf32> to vector<1024x8192xf32>
    %eq3A_16 = arith.cmpf oeq, %add3A_14, %eq3A : vector<1024x8192xf32>
    %get3A_17 = arith.constant 0 : index
    %get3A_18 = arith.constant 0 : index
    %get3A_19 = vector.load %arg1[%get3A_17, %get3A_18] : memref<1x8192xi32, #tpu.memory_space<vmem>>, vector<1x8192xi32>
    %jit3A = arith.constant 8192 : i32
    %broadcast_in_dim3A_20 = vector.shape_cast %get3A_19 : vector<1x8192xi32> to vector<1x8192xi32>
    %broadcast_in_dim3A_21 = vector.broadcast %broadcast_in_dim3A_20 : vector<1x8192xi32> to vector<1024x8192xi32>
    %broadcast_in_dim3A_22 = vector.broadcast %jit3A : i32 to vector<1024x8192xi32>
    %select_n3A = arith.select %eq3A_16, %broadcast_in_dim3A_21, %broadcast_in_dim3A_22 : vector<1024x8192xi1>, vector<1024x8192xi32>
    %reduce_min3A_23 = arith.constant dense<2147483647> : vector<1024xi32>
    %reduce_min3A_24 = vector.multi_reduction <minsi>, %select_n3A, %reduce_min3A_23 [1] : vector<1024x8192xi32> to vector<1024xi32>
    %broadcast_in_dim3A_25 = vector.shape_cast %reduce_min3A_24 : vector<1024xi32> to vector<1024x1xi32>
    %swap3A = arith.constant 0 : index
    %swap3A_26 = arith.constant 0 : index
    %swap3A_27 = vector.load %arg6[%swap3A, %swap3A_26] : memref<1024x1xi32, #tpu.memory_space<vmem>>, vector<1024x1xi32>
    tpu.vector_store %arg6[%swap3A, %swap3A_26], %broadcast_in_dim3A_25 {strides = array<i32>} : memref<1024x1xi32, #tpu.memory_space<vmem>>, vector<1024x1xi32>,
    %reduce_sum3A = vector.shape_cast %broadcast_in_dim3A : vector<1024x1xf32> to vector<1x1024x1xf32>
    %reduce_sum3A_28 = arith.constant dense<0.000000e+00> : vector<1xf32>
    %reduce_sum3A_29 = vector.multi_reduction <add>, %reduce_sum3A, %reduce_sum3A_28 [1, 2] : vector<1x1024x1xf32> to vector<1xf32>
    %reduce_sum3A_30 = vector.shape_cast %reduce_sum3A_29 : vector<1xf32> to vector<1x1x1xf32>
    %reduce_sum3A_31 = vector.extract %reduce_sum3A_30[0, 0, 0] : f32 from vector<1x1x1xf32>
    %broadcast_in_dim3A_32 = vector.broadcast %reduce_sum3A_31 : f32 to vector<1x1xf32>
    %broadcast_in_dim3A_33 = vector.shape_cast %broadcast_in_dim3A_32 : vector<1x1xf32> to vector<1x1x1xf32>
    %swap3A_34 = arith.constant 0 : index
    %swap3A_35 = arith.constant 0 : index
    %swap3A_36 = arith.constant 0 : index
    %swap3A_37 = vector.load %arg7[%swap3A_34, %swap3A_35, %swap3A_36] : memref<1x1x1xf32, #tpu.memory_space<vmem>>, vector<1x1x1xf32>
    tpu.vector_store %arg7[%swap3A_34, %swap3A_35, %swap3A_36], %broadcast_in_dim3A_33 {strides = array<i32>} : memref<1x1x1xf32, #tpu.memory_space<vmem>>, vector<1x1x1xf32>,
    return
  }
  func.func @transform_0(%arg0: i32) -> (i32, i32) {
    %c0_i32 = arith.constant 0 : i32
    %c0_i32_0 = arith.constant 0 : i32
    %c0_i32_1 = arith.constant 0 : i32
    return %c0_i32, %c0_i32_0 : i32, i32
  }
  func.func @transform_1(%arg0: i32) -> (i32, i32) {
    %c0_i32 = arith.constant 0 : i32
    %c0_i32_0 = arith.constant 0 : i32
    return %arg0, %c0_i32 : i32, i32
  }
  func.func @transform_2(%arg0: i32) -> (i32, i32) {
    %c0_i32 = arith.constant 0 : i32
    %c0_i32_0 = arith.constant 0 : i32
    return %arg0, %c0_i32 : i32, i32
  }
  func.func @transform_3(%arg0: i32) -> (i32, i32) {
    %c0_i32 = arith.constant 0 : i32
    %c0_i32_0 = arith.constant 0 : i32
    %c0_i32_1 = arith.constant 0 : i32
    return %c0_i32, %c0_i32_0 : i32, i32
  }
  func.func @transform_4(%arg0: i32) -> (i32, i32) {
    %c0_i32 = arith.constant 0 : i32
    %c0_i32_0 = arith.constant 0 : i32
    %c0_i32_1 = arith.constant 0 : i32
    return %c0_i32, %c0_i32_0 : i32, i32
  }
  func.func @transform_5(%arg0: i32) -> (i32, i32) {
    %c0_i32 = arith.constant 0 : i32
    %c0_i32_0 = arith.constant 0 : i32
    return %arg0, %c0_i32 : i32, i32
  }
  func.func @transform_6(%arg0: i32) -> (i32, i32, i32) {
    %c0_i32 = arith.constant 0 : i32
    %c0_i32_0 = arith.constant 0 : i32
    %c0_i32_1 = arith.constant 0 : i32
    return %arg0, %c0_i32, %c0_i32_0 : i32, i32, i32
  }
}

module attributes {stable_mosaic.version = 14 : i64} {
  func.func @_argmin_body(%arg0: i32, %arg1: memref<1x8192xi32, #tpu.memory_space<vmem>>, %arg2: memref<1024x384xbf16, #tpu.memory_space<vmem>>, %arg3: memref<1024x1xf32, #tpu.memory_space<vmem>>, %arg4: memref<8192x384xf32, #tpu.memory_space<vmem>>, %arg5: memref<1x8192xf32, #tpu.memory_space<vmem>>, %arg6: memref<1024x1xi32, #tpu.memory_space<vmem>>, %arg7: memref<1x1x1xf32, #tpu.memory_space<vmem>>) attributes {dimension_semantics = [#tpu.dimension_semantics<arbitrary>], iteration_bounds = array<i64: 4>, scalar_prefetch = 0 : i64, scratch_operands = 0 : i64, tpu.core_type = #tpu.core_type<tc>, window_params = [{pipeline_mode = #tpu.pipeline_mode<synchronous>, transform_indices = @transform_0, window_bounds = array<i64: 1, 8192>}, {transform_indices = @transform_1, window_bounds = array<i64: 1024, 384>}, {transform_indices = @transform_2, window_bounds = array<i64: 1024, 1>}, {pipeline_mode = #tpu.pipeline_mode<synchronous>, transform_indices = @transform_3, window_bounds = array<i64: 8192, 384>}, {pipeline_mode = #tpu.pipeline_mode<synchronous>, transform_indices = @transform_4, window_bounds = array<i64: 1, 8192>}, {transform_indices = @transform_5, window_bounds = array<i64: 1024, 1>}, {transform_indices = @transform_6, window_bounds = array<i64: 1, 1, 1>}]} {
    %get3A = arith.constant 0 : index
    %get3A_0 = arith.constant 0 : index
    %get3A_1 = vector.load %arg4[%get3A, %get3A_0] : memref<8192x384xf32, #tpu.memory_space<vmem>>, vector<8192x384xf32>
    %convert_element_type3A = arith.truncf %get3A_1 : vector<8192x384xf32> to vector<8192x384xbf16>
    %get3A_2 = arith.constant 0 : index
    %get3A_3 = arith.constant 0 : index
    %get3A_4 = vector.load %arg2[%get3A_2, %get3A_3] : memref<1024x384xbf16, #tpu.memory_space<vmem>>, vector<1024x384xbf16>
    %dot_general3A = arith.constant dense<0.000000e+00> : vector<1024x8192xf32>
    %dot_general3A_5 = tpu.matmul %get3A_4, %convert_element_type3A, %dot_general3A {dimension_numbers = #tpu.dot_dimension_numbers<[1], [1], [0], [0], [0, 0, 1, 0], [], []>, transpose_lhs_hint = false} : vector<1024x384xbf16>, vector<8192x384xbf16>, vector<1024x8192xf32> -> vector<1024x8192xf32>
    %get3A_6 = arith.constant 0 : index
    %get3A_7 = arith.constant 0 : index
    %get3A_8 = vector.load %arg3[%get3A_6, %get3A_7] : memref<1024x1xf32, #tpu.memory_space<vmem>>, vector<1024x1xf32>
    %add3A = vector.broadcast %get3A_8 : vector<1024x1xf32> to vector<1024x8192xf32>
    %add3A_9 = arith.addf %add3A, %dot_general3A_5 : vector<1024x8192xf32>
    %get3A_10 = arith.constant 0 : index
    %get3A_11 = arith.constant 0 : index
    %get3A_12 = vector.load %arg5[%get3A_10, %get3A_11] : memref<1x8192xf32, #tpu.memory_space<vmem>>, vector<1x8192xf32>
    %add3A_13 = vector.broadcast %get3A_12 : vector<1x8192xf32> to vector<1024x8192xf32>
    %add3A_14 = arith.addf %add3A_9, %add3A_13 : vector<1024x8192xf32>
    %reduce_min3A = arith.constant dense<0x7F800000> : vector<1024xf32>
    %reduce_min3A_15 = vector.multi_reduction <minimumf>, %add3A_14, %reduce_min3A [1] : vector<1024x8192xf32> to vector<1024xf32>
    %broadcast_in_dim3A = vector.shape_cast %reduce_min3A_15 : vector<1024xf32> to vector<1024x1xf32>
    %eq3A = vector.broadcast %broadcast_in_dim3A : vector<1024x1xf32> to vector<1024x8192xf32>
    %eq3A_16 = arith.cmpf oeq, %add3A_14, %eq3A : vector<1024x8192xf32>
    %get3A_17 = arith.constant 0 : index
    %get3A_18 = arith.constant 0 : index
    %get3A_19 = vector.load %arg1[%get3A_17, %get3A_18] : memref<1x8192xi32, #tpu.memory_space<vmem>>, vector<1x8192xi32>
    %jit3A = arith.constant 8192 : i32
    %broadcast_in_dim3A_20 = vector.shape_cast %get3A_19 : vector<1x8192xi32> to vector<1x8192xi32>
    %broadcast_in_dim3A_21 = vector.broadcast %broadcast_in_dim3A_20 : vector<1x8192xi32> to vector<1024x8192xi32>
    %broadcast_in_dim3A_22 = vector.broadcast %jit3A : i32 to vector<1024x8192xi32>
    %select_n3A = arith.select %eq3A_16, %broadcast_in_dim3A_21, %broadcast_in_dim3A_22 : vector<1024x8192xi1>, vector<1024x8192xi32>
    %reduce_min3A_23 = arith.constant dense<2147483647> : vector<1024xi32>
    %reduce_min3A_24 = vector.multi_reduction <minsi>, %select_n3A, %reduce_min3A_23 [1] : vector<1024x8192xi32> to vector<1024xi32>
    %broadcast_in_dim3A_25 = vector.shape_cast %reduce_min3A_24 : vector<1024xi32> to vector<1024x1xi32>
    %swap3A = arith.constant 0 : index
    %swap3A_26 = arith.constant 0 : index
    %swap3A_27 = vector.load %arg6[%swap3A, %swap3A_26] : memref<1024x1xi32, #tpu.memory_space<vmem>>, vector<1024x1xi32>
    tpu.vector_store %arg6[%swap3A, %swap3A_26], %broadcast_in_dim3A_25 {strides = array<i32>} : memref<1024x1xi32, #tpu.memory_space<vmem>>, vector<1024x1xi32>,
    %reduce_sum3A = vector.shape_cast %broadcast_in_dim3A : vector<1024x1xf32> to vector<1x1024x1xf32>
    %reduce_sum3A_28 = arith.constant dense<0.000000e+00> : vector<1xf32>
    %reduce_sum3A_29 = vector.multi_reduction <add>, %reduce_sum3A, %reduce_sum3A_28 [1, 2] : vector<1x1024x1xf32> to vector<1xf32>
    %reduce_sum3A_30 = vector.shape_cast %reduce_sum3A_29 : vector<1xf32> to vector<1x1x1xf32>
    %reduce_sum3A_31 = vector.extract %reduce_sum3A_30[0, 0, 0] : f32 from vector<1x1x1xf32>
    %broadcast_in_dim3A_32 = vector.broadcast %reduce_sum3A_31 : f32 to vector<1x1xf32>
    %broadcast_in_dim3A_33 = vector.shape_cast %broadcast_in_dim3A_32 : vector<1x1xf32> to vector<1x1x1xf32>
    %swap3A_34 = arith.constant 0 : index
    %swap3A_35 = arith.constant 0 : index
    %swap3A_36 = arith.constant 0 : index
    %swap3A_37 = vector.load %arg7[%swap3A_34, %swap3A_35, %swap3A_36] : memref<1x1x1xf32, #tpu.memory_space<vmem>>, vector<1x1x1xf32>
    tpu.vector_store %arg7[%swap3A_34, %swap3A_35, %swap3A_36], %broadcast_in_dim3A_33 {strides = array<i32>} : memref<1x1x1xf32, #tpu.memory_space<vmem>>, vector<1x1x1xf32>,
    return
  }
  func.func @transform_0(%arg0: i32) -> (i32, i32) {
    %c0_i32 = arith.constant 0 : i32
    %c0_i32_0 = arith.constant 0 : i32
    %c0_i32_1 = arith.constant 0 : i32
    return %c0_i32, %c0_i32_0 : i32, i32
  }
  func.func @transform_1(%arg0: i32) -> (i32, i32) {
    %c0_i32 = arith.constant 0 : i32
    %c0_i32_0 = arith.constant 0 : i32
    return %arg0, %c0_i32 : i32, i32
  }
  func.func @transform_2(%arg0: i32) -> (i32, i32) {
    %c0_i32 = arith.constant 0 : i32
    %c0_i32_0 = arith.constant 0 : i32
    return %arg0, %c0_i32 : i32, i32
  }
  func.func @transform_3(%arg0: i32) -> (i32, i32) {
    %c0_i32 = arith.constant 0 : i32
    %c0_i32_0 = arith.constant 0 : i32
    %c0_i32_1 = arith.constant 0 : i32
    return %c0_i32, %c0_i32_0 : i32, i32
  }
  func.func @transform_4(%arg0: i32) -> (i32, i32) {
    %c0_i32 = arith.constant 0 : i32
    %c0_i32_0 = arith.constant 0 : i32
    %c0_i32_1 = arith.constant 0 : i32
    return %c0_i32, %c0_i32_0 : i32, i32
  }
  func.func @transform_5(%arg0: i32) -> (i32, i32) {
    %c0_i32 = arith.constant 0 : i32
    %c0_i32_0 = arith.constant 0 : i32
    return %arg0, %c0_i32 : i32, i32
  }
  func.func @transform_6(%arg0: i32) -> (i32, i32, i32) {
    %c0_i32 = arith.constant 0 : i32
    %c0_i32_0 = arith.constant 0 : i32
    %c0_i32_1 = arith.constant 0 : i32
    return %arg0, %c0_i32, %c0_i32_0 : i32, i32, i32
  }
}

</mosaic_0001>

<sc_bundles>
// kernel: kernel.11.cloned.1.call-start
scs
__scs_entry_jumppad:
0x0: {  	(pc) =	sbr.rel $0x88, $3  }
0x1: {  	(tag) =	ssettag $0x0;
	lr =	simm.s32 $0x1  }
0x2: {  	[smem:$0x3F9B] =	sst lr;
	_ =	strace $0xD0000000  }
0x3: {  	_ = 	snop  }
0x4: {  	_ = 	snop  }
0x5: {  	_ = 	snop  }
0x6: {  	_ = 	snop  }
0x7: {  	_ = 	snop  }
__scs_overlays_trampoline_lowered:
0x8: {  	[smem:$0x3FAA] =	sst s0  }
0x9: {  	[smem:$0x3FAB] =	sst s1  }
0xa: {  	[smem:$0x3FAC] =	sst s2  }
0xb: {  	[smem:$0x3FAD] =	sst s3  }
0xc: {  	[smem:$0x3FAE] =	sst s4  }
0xd: {  	[smem:$0x3FAF] =	sst s5  }
0xe: {  	[smem:$0x3FB0] =	sst s6  }
0xf: {  	[smem:$0x3FB1] =	sst s7  }
0x10: {  	[smem:$0x3FB2] =	sst s8  }
0x11: {  	[smem:$0x3FB3] =	sst s9;
	s0 =	simm.s32 @!p0 $0x0  }
0x12: {  	s1 =	sld [smem:$0x3F99];
	s0 =	simm.s32 @p0 $0x1  }
0x13: {  	[smem:$0x3FB4] =	sst s0;
	s0 =	simm.s32 @!p1 $0x0  }
0x14: {  	s2 =	sld [smem:$0x3F98];
	s0 =	simm.s32 @p1 $0x1  }
0x15: {  	[smem:$0x3FB5] =	sst s0;
	s0 =	simm.s32 @!p2 $0x0  }
0x16: {  	s3 =	sld [smem:$0x3FDB];
	s0 =	simm.s32 @p2 $0x1  }
0x17: {  	s4 =	simm.s32 $0x1BF5;
	[smem:$0x3FB7] =	sst s0  }
0x18: {  	s0 =	sld [smem:$0x3F9A];
	_ =	swait.ge [sflag:s4], $0x0  }
0x19: {  	s7 =	sld [smem:$0x3F9B]  }
0x1a: {  	s8 =	sadd.s32 $0xFFFFE003, lr  }
0x1b: {  	s9 =	sadd.s32 $0xFFFFFEF7, lr;
	s5 =	simm.s32 $0xFFFFFFFF;
	p2 =	slt.u32 s8, $0xFFFFF086  }
0x1c: {  	p1 =	slt.u32 s9, $0xF7A;
	s5 =	simm.s32 @!p2 $0x0  }
0x1d: {  	s5 =	simm.s32 @p1 $0x1;
	p0 =	seq.s32 s7, s2  }
0x1e: {  	s7 =	smul.u32 @!p0 $0xF7A, s2;
	p2 =	seq.s32 @!p0 s5, $0x0  }
0x1f: {  	s9 =	smul.u32 $0xF7A, s1;
	s8 =	simm.s32 @!p0 $0x1BF5;
	p2 =	por !p2, p0  }
0x20: {  	[sflag:s8] =	ssyncset.s32 @!p0 $0xFFFFF086;
	s6 =	sadd.s32 @!p0 s3, s7;
	s7 =	simm.s32 @!p0 $0x108  }
0x21: {  	s3 =	sadd.s32 s3, s9;
	s6 =	sadd.s32 @!p0 $0x88, s6;
	s7 =	simm.s32 @p2 $0x1082  }
0x22: {  	[simem:s7], [sflag:s8] =	dma.local @!p0 [hbm:s6], $0xF7A  }
0x23: {  	s9 =	sor.u32 $0xD0000000, s2;
	s6 =	simm.s32 $0x108;
	_ =	swait.ge @!p0 [sflag:s8], $0x0  }
0x24: {  	s3 =	sadd.s32 $0x88, s3;
	s6 =	simm.s32 @!p1 $0x1082;
	[sflag:s4] =	ssyncset.s32 $0xFFFFF086  }
0x25: {  	[simem:s6], [sflag:s4] =	dma.local [hbm:s3], $0xF7A  }
0x26: {  	[smem:$0x3F9B] =	sst s1;
	(tag) =	ssettag s2;
	_ =	strace s9  }
0x27: {  	s1 =	sld [smem:$0x3FAB]  }
0x28: {  	s2 =	sld [smem:$0x3FAC]  }
0x29: {  	s4 =	sld [smem:$0x3FAE]  }
0x2a: {  	p0 =	seq.s32 s5, $0x0;
	s5 =	sld [smem:$0x3FAF]  }
0x2b: {  	s6 =	sld [smem:$0x3FB0]  }
0x2c: {  	s7 =	sld [smem:$0x3FB1]  }
0x2d: {  	s3 =	simm.s32 $0x108;
	s8 =	sld [smem:$0x3FB2]  }
0x2e: {  	s3 =	simm.s32 @!p0 $0x1082;
	s9 =	sld [smem:$0x3FB3]  }
0x2f: {  	lr =	sadd.s32 s0, s3;
	s0 =	sld [smem:$0x3FAA]  }
0x30: {  	s3 =	sld [smem:$0x3FAD]  }
0x31: {  	[smem:$0x3FB6] =	sst s10  }
0x32: {  	s10 =	sld [smem:$0x3FB4];
	_ =	sdelay $0x3  }
0x33: {  	p0 =	seq.s32 s10, $0x1;
	s10 =	sld [smem:$0x3FB6];
	_ =	sdelay $0x3  }
0x34: {  	[smem:$0x3FB6] =	sst s10  }
0x35: {  	s10 =	sld [smem:$0x3FB5];
	_ =	sdelay $0x3  }
0x36: {  	p1 =	seq.s32 s10, $0x1;
	s10 =	sld [smem:$0x3FB6];
	_ =	sdelay $0x3  }
0x37: {  	[smem:$0x3FB6] =	sst s10  }
0x38: {  	s10 =	sld [smem:$0x3FB7]  }
0x39: {  	_ = 	snop;
	(pc) =	sbr.ind lr, $3  }
0x3a: {  	_ = 	snop  }
0x3b: {  	_ = 	snop  }
0x3c: {  	p2 =	seq.s32 s10, $0x1;
	s10 =	sld [smem:$0x3FB6]  }
0x3d: {  	_ =	shalt  }
0x3e: {  	_ =	shalt  }
0x3f: {  	_ =	shalt  }
0x40: {  	_ =	shalt  }
0x41: {  	_ =	shalt  }
0x42: {  	_ =	shalt  }
0x43: {  	_ =	shalt  }
0x44: {  	_ =	shalt  }
0x45: {  	_ =	shalt  }
0x46: {  	_ =	shalt  }
0x47: {  	_ =	shalt  }
0x48: {  	_ =	shalt  }
0x49: {  	_ =	shalt  }
0x4a: {  	_ =	shalt  }
0x4b: {  	_ =	shalt  }
0x4c: {  	_ =	shalt  }
0x4d: {  	_ =	shalt  }
0x4e: {  	_ =	shalt  }
0x4f: {  	_ =	shalt  }
0x50: {  	_ =	shalt  }
0x51: {  	_ =	shalt  }
0x52: {  	_ =	shalt  }
0x53: {  	_ =	shalt  }
0x54: {  	_ =	shalt  }
0x55: {  	_ =	shalt  }
0x56: {  	_ =	shalt  }
0x57: {  	_ =	shalt  }
0x58: {  	_ =	shalt  }
0x59: {  	_ =	shalt  }
0x5a: {  	_ =	shalt  }
0x5b: {  	_ =	shalt  }
0x5c: {  	_ =	shalt  }
0x5d: {  	_ =	shalt  }
0x5e: {  	_ =	shalt  }
0x5f: {  	_ =	shalt  }
0x60: {  	_ =	shalt  }
0x61: {  	_ =	shalt  }
0x62: {  	_ =	shalt  }
0x63: {  	_ =	shalt  }
0x64: {  	_ =	shalt  }
0x65: {  	_ =	shalt  }
0x66: {  	_ =	shalt  }
0x67: {  	_ =	shalt  }
0x68: {  	_ =	shalt  }
0x69: {  	_ =	shalt  }
0x6a: {  	_ =	shalt  }
0x6b: {  	_ =	shalt  }
0x6c: {  	_ =	shalt  }
0x6d: {  	_ =	shalt  }
0x6e: {  	_ =	shalt  }
0x6f: {  	_ =	shalt  }
0x70: {  	_ =	shalt  }
0x71: {  	_ =	shalt  }
0x72: {  	_ =	shalt  }
0x73: {  	_ =	shalt  }
0x74: {  	_ =	shalt  }
0x75: {  	_ =	shalt  }
0x76: {  	_ =	shalt  }
0x77: {  	_ =	shalt  }
0x78: {  	_ =	shalt  }
0x79: {  	_ =	shalt  }
0x7a: {  	_ =	shalt  }
0x7b: {  	_ =	shalt  }
0x7c: {  	_ =	shalt  }
0x7d: {  	_ =	shalt  }
0x7e: {  	_ =	shalt  }
0x7f: {  	_ =	shalt  }
0x80: {  	_ =	shalt  }
0x81: {  	_ =	shalt  }
0x82: {  	_ =	shalt  }
0x83: {  	_ =	shalt  }
0x84: {  	_ =	shalt  }
0x85: {  	_ =	shalt  }
0x86: {  	_ =	shalt  }
0x87: {  	_ =	shalt  }
.Lfunc_end0:
.L_simem_size_0:
called_computation.1_lowered:
.L_overlay_start_0:
0x88: {  	s2 =	sld [smem:$0x3FD9]  }
0x89: {  	s3 =	sld [smem:$0x3FFE];
	_ =	sdelay $0x1  }
0x8a: {  	s1 =	srdreg.scid  }
0x8b: {  	s0 =	sand.u32 $0x1, s1  }
0x8c: {  	s15 =	sshll.u32 s0, $0xA;
	s2 =	sadd.s32 s3, s2  }
0x8d: {  	s2 =	sadd.s32 s2, s15  }
0x8e: {  	[smem:$0x3FC2] =	sst s2  }
0x8f: {  	_ = 	snop  }
0x90: {  	s16 =	sld [smem:$0x3FD0];
	_ =	sdelay $0x2  }
0x91: {  	s4 =	simm.s32 $0xC;
	s5 =	simm.s32 $0x10;
	s2 =	sld [smem:$0x3FC5]  }
0x92: {  	[smem:s5], [sflag:s4] =	dma.local [hbm:s16], $0x1  }
0x93: {  	_ =	swait.eq [sflag:s4], $0x1  }
0x94: {  	[sflag:s4] =	ssyncset.done $0x0  }
0x95: {  	[sflag:s4] =	ssyncadd.s32 $0xFFFFFFFF  }
0x96: {  	s17 =	sld [smem:$0x15];
	(tm) =	ssettm $0x1  }
0x97: {  	s18 =	sld [smem:$0x3FFB];
	_ =	sdelay $0x3  }
0x98: {  	_ =	strace s18  }
0x99: {  	s3 =	sld [smem:$0x3FFC];
	_ =	sdelay $0x3  }
0x9a: {  	_ =	strace s3  }
0x9b: {  	s3 =	sld [smem:$0x3FFD];
	_ =	sdelay $0x3  }
0x9c: {  	_ =	strace s3  }
0x9d: {  	_ =	strace $0x8FFFFFFF  }
0x9e: {  	s19 =	sld [smem:$0x3FDB];
	_ =	sdelay $0x1  }
0x9f: {  	s20 =	simm.s32 $_scs_section_size  }
0xa0: {  	s6 =	simm.s32 $_size__tile_overlayer_lowered;
	s7 =	simm.s32 $_tile_overlayer_lowered  }
0xa1: {  	s8 =	simm.s32 $0x1BFF;
	s21 =	sshll.u32 s7, $0x1;
	s5 =	sadd.s32 s20, s19  }
0xa2: {  	s22 =	simm.s32 $0x0;
	s6 =	sshll.u32 s6, $0x1;
	s7 =	sadd.s32 s21, s5  }
0xa3: {  	[timem:s22], [sflag:s8] =	dma.local [hbm:s7], s6  }
0xa4: {  	_ =	swait.ge [sflag:s8], s6  }
0xa5: {  	s6 =	ssub.s32 $0x0, s6;
	[sflag:s8] =	ssyncset.done $0x0  }
0xa6: {  	[sflag:s8] =	ssyncadd.s32 s6;
	_ =	sdelay $0x1  }
0xa7: {  	s23 =	simm.s32 $0x1B8B  }
0xa8: {  	_ =	swait.ge [sflag:s23], $0x1  }
0xa9: {  	[sflag:s23] =	ssyncset.done $0x0  }
0xaa: {  	[sflag:s23] =	ssyncadd.s32 $0xFFFFFFFF  }
0xab: {  	s6 =	sld [smem:$0x0]  }
0xac: {  	s7 =	sand.u32 $0xFFFFFFFE, s1  }
0xad: {  	p0 =	sne.s32 s1, s7  }
0xae: {  	s7 =	sshll.u32 @p0 s7, $0xE  }
0xaf: {  	s7 =	sadd.s32 @p0 $0x11B8D, s7;
	s8 =	sshll.u32 @p0 s6, $0x11  }
0xb0: {  	s7 =	sor.u32 @p0 s8, s7  }
0xb1: {  	[sflag:s7] =	ssyncadd.remote.s32 @p0 $0x1;
	_ =	sdelay $0x1  }
0xb2: {  	s7 =	simm.s32 @p0 $0x1B8D  }
0xb3: {  	_ =	swait.eq @p0 [sflag:s7], $0x1  }
0xb4: {  	[sflag:s7] =	ssyncadd.s32 @p0 $0xFFFFFFFF  }
0xb5: {  	s8 =	sshll.u32 @!p0 s1, $0xE  }
0xb6: {  	s8 =	sor.u32 @!p0 $0x4000, s8;
	s7 =	simm.s32 @!p0 $0x1B8D  }
0xb7: {  	s6 =	sshll.u32 @!p0 s6, $0x11;
	s8 =	sadd.s32 @!p0 $0x11B8D, s8;
	_ =	swait.eq @!p0 [sflag:s7], $0x1  }
0xb8: {  	s6 =	sor.u32 @!p0 s6, s8;
	[sflag:s7] =	ssyncadd.s32 @!p0 $0xFFFFFFFF  }
0xb9: {  	s25 =	simm.s32 $0x1B8E;
	s24 =	sld [smem:$0x3FFE];
	[sflag:s6] =	ssyncadd.remote.s32 @!p0 $0x1  }
0xba: {  	s26 =	simm.s32 $execute0_lowered;
	[smem:$0x3FD2] =	sst s25  }
0xbb: {  	s7 =	sshll.u32 s26, $0x1;
	_ =	strace $0x8000004C;
	[dreg:$0x1] =	wrdreg $0xFFFFFFFF  }
0xbc: {  	s28 =	simm.s32 $_size_execute0_lowered;
	s5 =	sadd.s32 s5, s7;
	[dreg:$0x0] =	wrdreg $0x0  }
0xbd: {  	s7 =	sshll.u32 s28, $0x1;
	[dreg:$0x2] =	wrdreg s5  }
0xbe: {  	[dreg:$0x3] =	wrdreg s7  }
0xbf: {  	[dreg:$0x4] =	wrdreg $0xC0  }
0xc0: {  	_ =	task [dreg:s22], $0x5FFFF  }
0xc1: {  	[dreg:$0x1] =	wrdreg $0xFFFFFFFF  }
0xc2: {  	[dreg:$0x0] =	wrdreg $0x60  }
0xc3: {  	[dreg:$0x2] =	wrdreg s2  }
0xc4: {  	[dreg:$0x3] =	wrdreg s24  }
0xc5: {  	[dreg:$0x4] =	wrdreg s17  }
0xc6: {  	[dreg:$0x5] =	wrdreg $0xA  }
0xc7: {  	_ =	task.clear_ibuf [dreg:s22], $0x6FFFF;
	_ =	strace $0x9000004C  }
0xc8: {  	s29 =	simm.s32 $0xA;
	_ =	strace $0x8000004E  }
0xc9: {  	_ =	swait.ge [sflag:s29], $0x1  }
0xca: {  	[sflag:s29] =	ssyncadd.s32 $0xFFFFFFFF  }
0xcb: {  	_ =	strace $0x9000004E  }
0xcc: {  	_ =	sfence  }
0xcd: {  	s30 =	sld [smem:$0x0];
	_ =	sdelay $0x2  }
0xce: {  	s31 =	sshll.u32 s1, $0xD;
	s1 =	sshrl.u32 s1, $0x2  }
0xcf: {  	s4 =	sand.u32 $0x4000, s31;
	s1 =	sadd.s32 s1, s30  }
0xd0: {  	s0 =	sor.u32 s4, s0;
	s1 =	sshll.u32 s1, $0x11  }
0xd1: {  	s0 =	sor.u32 s1, s0  }
0xd2: {  	s0 =	sadd.s32 $0x8F2B, s0  }
0xd3: {  	[sflag:s0] =	ssyncadd.remote.s32 $0x1  }
0xd4: {  	_ =	sfence.sel $0xFFFF  }
0xd5: {  	[dreg:$0x0] =	wrdreg $0xFFFFFFFF;
	(pc) =	sbr.abs _section_cstart, $3  }
0xd6: {  	[dreg:$0x1] =	wrdreg $0xFFFFFFFF  }
0xd7: {  	_ =	task.clear_ibuf [dreg:s22], $0x2FFFF;
	_ =	strace $0x9FFFFFFF  }
0xd8: {  	(tm) =	ssettm $0x7FFFFFFF  }
0xd9: {  	_ =	shalt  }
tec
execute0_lowered:
.L_overlay_start_1:
0x0: {  	(tag) =	ssettag $0x1  }
0x1: {  	s1 =	rddreg [dreg:$0x0];
	s2 =	srdreg.scid  }
0x2: {  	s4 =	rddreg [dreg:$0x1];
	s0 =	stileid.u32  }
0x3: {  	s5 =	rddreg [dreg:$0x2];
	s3 =	simm.s32 $0x0;
	s18 =	simm.s32 $0x880  }
0x4: {  	s19 =	simm.s32 $0xC80;
	s20 =	simm.s32 $0x1480;
	s21 =	simm.s32 $0x1880  }
0x5: {  	s23 =	simm.s32 $0x2080;
	s24 =	simm.s32 $0x2480;
	s25 =	simm.s32 $0x2C80  }
0x6: {  	s26 =	simm.s32 $0x3080;
	s9 =	simm.s32 $0x3C80;
	[smem:$0x7FF] =	sst s3  }
0x7: {  	s10 =	simm.s32 $0x4480;
	_ =	strace $0x8000004D;
	[dreg:$0x6] =	wrdreg s18  }
0x8: {  	s11 =	simm.s32 $0x4880;
	s12 =	simm.s32 $0x5080;
	[dreg:$0x7] =	wrdreg s19  }
0x9: {  	s13 =	simm.s32 $0x5480;
	s14 =	simm.s32 $0x5C80;
	[dreg:$0x8] =	wrdreg s20  }
0xa: {  	s15 =	simm.s32 $0x6080;
	s16 =	simm.s32 $0x6880;
	[dreg:$0x9] =	wrdreg s21  }
0xb: {  	s28 =	simm.s32 $0xA880;
	s29 =	simm.s32 $0xB080;
	[dreg:$0xa] =	wrdreg s23  }
0xc: {  	s30 =	simm.s32 $0xB480;
	s31 =	simm.s32 $0xBC80;
	[dreg:$0xb] =	wrdreg s24  }
0xd: {  	s2 =	sand.u32 $0x1, s2;
	s6 =	sshll.u32 s0, $0x5;
	[dreg:$0xc] =	wrdreg s25  }
0xe: {  	s7 =	sshll.u32 s2, $0x4;
	s2 =	ssub.s32 $0x2, s2;
	[dreg:$0xd] =	wrdreg s26  }
0xf: {  	s18 =	simm.s32 $0x7480;
	s19 =	simm.s32 $0x7880;
	s20 =	simm.s32 $0x8080  }
0x10: {  	s21 =	simm.s32 $0x8480;
	s23 =	simm.s32 $0x9080;
	s24 =	simm.s32 $0x9880  }
0x11: {  	s25 =	simm.s32 $0x9C80;
	s26 =	simm.s32 $0xA480;
	s6 =	sor.u32 s7, s6  }
0x12: {  	s22 =	sshrl.u32 s2, $0x1;
	s4 =	sadd.s32 s6, s4;
	s6 =	smul.u32 $0x180, s6  }
0x13: {  	s7 =	simm.s32 $0x80;
	s2 =	ssub.s32 s2, s22;
	s4 =	sadd.s32 $0xCA00, s4  }
0x14: {  	v2 =	vlaneseq.u32;
	s22 =	simm.s32 $0x8C80;
	[dreg:$0x4] =	wrdreg s4;
	s17 =	sadd.s32 s5, s6  }
0x15: {  	vm0 =	vmmov $0xffff;
	vm1 =	vmmov $0xff;
	v1 =	vshrl.u32 v2, $0x3;
	s4 =	sadd.s32 $0x100, s1;
	s5 =	smax.u32 s2, $0x1;
	s6 =	simm.s32 $0x2  }
0x16: {  	v0 =	vand.u32 $0x7, v2;
	v2 =	vor.u32 $0x8, v2;
	v1 =	vmul.u32 $0x8, v1;
	s2 =	simm.s32 $0x1;
	[dreg:$0x5] =	wrdreg s17;
	s17 =	simm.s32 $0x6C80  }
.LBB2_1:
0x17: {  	s0 =	rddreg [dreg:$0x4]  }
0x18: {  	[tilespmem:s3], [sflag:$0x2] =	stream.linear.gather [hbm4b:s0+s3], $0x80, $0x38;
	[tilespmem:$0xC080] =	vst v63  }
0x19: {  	_ =	swait.ge [sflag:s6], $0x80  }
0x1a: {  	[sflag:s6] =	ssyncset.done $0x0  }
0x1b: {  	[sflag:s6] =	ssyncadd.s32 $0xFFFFFF80  }
0x1c: {  	v3 =	vld [tilespmem:$0x0];
	_ =	sdelay $0x4  }
0x1d: {  	v4 =	vshrl.u32 v3, $0x3  }
0x1e: {  	v4 =	vmul.u32 $0x18, v4  }
0x1f: {  	v3 =	vand.u32 $0x7, v3  }
0x20: {  	v3 =	vor.u32 v3, v4  }
0x21: {  	v4 =	vperm.xlane v3, v0;
	_ =	sdelay $0x1  }
0x22: {  	v4 =	vadd.s32 v1, v4;
	_ =	sdelay $0x1  }
0x23: {  	v3 =	vperm.xlane v3, v2;
	_ =	sdelay $0x1  }
0x24: {  	v3 =	vadd.s32 v1, v3  }
0x25: {  	[tilespmem:s7], [sflag:$0x1] =	stream.indirect_vreg.gather [hbm4b:s1+s3], $0x80, v4, vm0, $0xb8;
	[tilespmem:$0xC080] =	vst v63  }
0x26: {  	s0 =	rddreg [dreg:$0x6]  }
0x27: {  	[tilespmem:s0], [sflag:$0x1] =	stream.indirect_vreg.gather [hbm4b:s4+s3], $0x80, v4, vm1, $0xb8;
	[tilespmem:$0xC080] =	vst v63  }
0x28: {  	s8 =	rddreg [dreg:$0x7]  }
0x29: {  	[tilespmem:s8], [sflag:$0x1] =	stream.indirect_vreg.gather [hbm4b:s1+s3], $0x80, v3, vm0, $0xb8;
	[tilespmem:$0xC080] =	vst v63  }
0x2a: {  	s0 =	rddreg [dreg:$0x8]  }
0x2b: {  	[tilespmem:s0], [sflag:$0x1] =	stream.indirect_vreg.gather [hbm4b:s4+s3], $0x80, v3, vm1, $0xb8;
	[tilespmem:$0xC080] =	vst v63  }
0x2c: {  	v3 =	vld [tilespmem:$0x10];
	_ =	sdelay $0x4  }
0x2d: {  	v57 =	vshrl.u32 v3, $0x3  }
0x2e: {  	v4 =	vmul.u32 $0x18, v57  }
0x2f: {  	v3 =	vand.u32 $0x7, v3  }
0x30: {  	v3 =	vor.u32 v3, v4  }
0x31: {  	v4 =	vperm.xlane v3, v0;
	_ =	sdelay $0x1  }
0x32: {  	v4 =	vadd.s32 v1, v4;
	_ =	sdelay $0x1  }
0x33: {  	v3 =	vperm.xlane v3, v2;
	_ =	sdelay $0x1  }
0x34: {  	s0 =	rddreg [dreg:$0x9];
	v3 =	vadd.s32 v1, v3  }
0x35: {  	[tilespmem:s0], [sflag:$0x1] =	stream.indirect_vreg.gather [hbm4b:s1+s3], $0x80, v4, vm0, $0xb8;
	[tilespmem:$0xC080] =	vst v63  }
0x36: {  	s8 =	rddreg [dreg:$0xa]  }
0x37: {  	[tilespmem:s8], [sflag:$0x1] =	stream.indirect_vreg.gather [hbm4b:s4+s3], $0x80, v4, vm1, $0xb8;
	[tilespmem:$0xC080] =	vst v63  }
0x38: {  	s0 =	rddreg [dreg:$0xb]  }
0x39: {  	[tilespmem:s0], [sflag:$0x1] =	stream.indirect_vreg.gather [hbm4b:s1+s3], $0x80, v3, vm0, $0xb8;
	[tilespmem:$0xC080] =	vst v63  }
0x3a: {  	s8 =	rddreg [dreg:$0xc]  }
0x3b: {  	[tilespmem:s8], [sflag:$0x1] =	stream.indirect_vreg.gather [hbm4b:s4+s3], $0x80, v3, vm1, $0xb8;
	[tilespmem:$0xC080] =	vst v63  }
0x3c: {  	v3 =	vld [tilespmem:$0x20];
	_ =	sdelay $0x4  }
0x3d: {  	v58 =	vshrl.u32 v3, $0x3  }
0x3e: {  	v4 =	vmul.u32 $0x18, v58  }
0x3f: {  	v3 =	vand.u32 $0x7, v3  }
0x40: {  	v3 =	vor.u32 v3, v4  }
0x41: {  	v4 =	vperm.xlane v3, v0;
	_ =	sdelay $0x1  }
0x42: {  	v4 =	vadd.s32 v1, v4;
	_ =	sdelay $0x1  }
0x43: {  	v3 =	vperm.xlane v3, v2;
	_ =	sdelay $0x1  }
0x44: {  	s8 =	rddreg [dreg:$0xd];
	v3 =	vadd.s32 v1, v3  }
0x45: {  	[tilespmem:s8], [sflag:$0x1] =	stream.indirect_vreg.gather [hbm4b:s1+s3], $0x80, v4, vm0, $0xb8;
	[tilespmem:$0xC080] =	vst v63  }
0x46: {  	s8 =	simm.s32 $0x3880  }
0x47: {  	[tilespmem:s8], [sflag:$0x1] =	stream.indirect_vreg.gather [hbm4b:s4+s3], $0x80, v4, vm1, $0xb8;
	[tilespmem:$0xC080] =	vst v63  }
0x48: {  	_ = 	snop  }
0x49: {  	[tilespmem:s9], [sflag:$0x1] =	stream.indirect_vreg.gather [hbm4b:s1+s3], $0x80, v3, vm0, $0xb8;
	[tilespmem:$0xC080] =	vst v63  }
0x4a: {  	_ = 	snop  }
0x4b: {  	[tilespmem:s10], [sflag:$0x1] =	stream.indirect_vreg.gather [hbm4b:s4+s3], $0x80, v3, vm1, $0xb8;
	[tilespmem:$0xC080] =	vst v63  }
0x4c: {  	v3 =	vld [tilespmem:$0x30];
	_ =	sdelay $0x4  }
0x4d: {  	v59 =	vshrl.u32 v3, $0x3  }
0x4e: {  	v4 =	vmul.u32 $0x18, v59  }
0x4f: {  	v3 =	vand.u32 $0x7, v3  }
0x50: {  	v3 =	vor.u32 v3, v4  }
0x51: {  	v4 =	vperm.xlane v3, v0;
	_ =	sdelay $0x1  }
0x52: {  	v4 =	vadd.s32 v1, v4;
	_ =	sdelay $0x1  }
0x53: {  	v3 =	vperm.xlane v3, v2;
	_ =	sdelay $0x1  }
0x54: {  	v3 =	vadd.s32 v1, v3  }
0x55: {  	[tilespmem:s11], [sflag:$0x1] =	stream.indirect_vreg.gather [hbm4b:s1+s3], $0x80, v4, vm0, $0xb8;
	[tilespmem:$0xC080] =	vst v63  }
0x56: {  	_ = 	snop  }
0x57: {  	[tilespmem:s12], [sflag:$0x1] =	stream.indirect_vreg.gather [hbm4b:s4+s3], $0x80, v4, vm1, $0xb8;
	[tilespmem:$0xC080] =	vst v63  }
0x58: {  	_ = 	snop  }
0x59: {  	[tilespmem:s13], [sflag:$0x1] =	stream.indirect_vreg.gather [hbm4b:s1+s3], $0x80, v3, vm0, $0xb8;
	[tilespmem:$0xC080] =	vst v63  }
0x5a: {  	_ = 	snop  }
0x5b: {  	[tilespmem:s14], [sflag:$0x1] =	stream.indirect_vreg.gather [hbm4b:s4+s3], $0x80, v3, vm1, $0xb8;
	[tilespmem:$0xC080] =	vst v63  }
0x5c: {  	v3 =	vld [tilespmem:$0x40];
	_ =	sdelay $0x4  }
0x5d: {  	v60 =	vshrl.u32 v3, $0x3  }
0x5e: {  	v4 =	vmul.u32 $0x18, v60  }
0x5f: {  	v3 =	vand.u32 $0x7, v3  }
0x60: {  	v3 =	vor.u32 v3, v4  }
0x61: {  	v4 =	vperm.xlane v3, v0;
	_ =	sdelay $0x1  }
0x62: {  	v4 =	vadd.s32 v1, v4;
	_ =	sdelay $0x1  }
0x63: {  	v3 =	vperm.xlane v3, v2;
	_ =	sdelay $0x1  }
0x64: {  	v3 =	vadd.s32 v1, v3  }
0x65: {  	[tilespmem:s15], [sflag:$0x1] =	stream.indirect_vreg.gather [hbm4b:s1+s3], $0x80, v4, vm0, $0xb8;
	[tilespmem:$0xC080] =	vst v63  }
0x66: {  	_ = 	snop  }
0x67: {  	[tilespmem:s16], [sflag:$0x1] =	stream.indirect_vreg.gather [hbm4b:s4+s3], $0x80, v4, vm1, $0xb8;
	[tilespmem:$0xC080] =	vst v63  }
0x68: {  	_ = 	snop  }
0x69: {  	[tilespmem:s17], [sflag:$0x1] =	stream.indirect_vreg.gather [hbm4b:s1+s3], $0x80, v3, vm0, $0xb8;
	[tilespmem:$0xC080] =	vst v63  }
0x6a: {  	_ = 	snop  }
0x6b: {  	[tilespmem:s18], [sflag:$0x1] =	stream.indirect_vreg.gather [hbm4b:s4+s3], $0x80, v3, vm1, $0xb8;
	[tilespmem:$0xC080] =	vst v63  }
0x6c: {  	v3 =	vld [tilespmem:$0x50];
	_ =	sdelay $0x4  }
0x6d: {  	v61 =	vshrl.u32 v3, $0x3  }
0x6e: {  	v4 =	vmul.u32 $0x18, v61  }
0x6f: {  	v3 =	vand.u32 $0x7, v3  }
0x70: {  	v3 =	vor.u32 v3, v4  }
0x71: {  	v4 =	vperm.xlane v3, v0;
	_ =	sdelay $0x1  }
0x72: {  	v4 =	vadd.s32 v1, v4;
	_ =	sdelay $0x1  }
0x73: {  	v3 =	vperm.xlane v3, v2;
	_ =	sdelay $0x1  }
0x74: {  	v3 =	vadd.s32 v1, v3  }
0x75: {  	[tilespmem:s19], [sflag:$0x1] =	stream.indirect_vreg.gather [hbm4b:s1+s3], $0x80, v4, vm0, $0xb8;
	[tilespmem:$0xC080] =	vst v63  }
0x76: {  	_ = 	snop  }
0x77: {  	[tilespmem:s20], [sflag:$0x1] =	stream.indirect_vreg.gather [hbm4b:s4+s3], $0x80, v4, vm1, $0xb8;
	[tilespmem:$0xC080] =	vst v63  }
0x78: {  	_ = 	snop  }
0x79: {  	[tilespmem:s21], [sflag:$0x1] =	stream.indirect_vreg.gather [hbm4b:s1+s3], $0x80, v3, vm0, $0xb8;
	[tilespmem:$0xC080] =	vst v63  }
0x7a: {  	_ = 	snop  }
0x7b: {  	[tilespmem:s22], [sflag:$0x1] =	stream.indirect_vreg.gather [hbm4b:s4+s3], $0x80, v3, vm1, $0xb8;
	[tilespmem:$0xC080] =	vst v63  }
0x7c: {  	v3 =	vld [tilespmem:$0x60];
	_ =	sdelay $0x4  }
0x7d: {  	v62 =	vshrl.u32 v3, $0x3  }
0x7e: {  	v4 =	vmul.u32 $0x18, v62  }
0x7f: {  	v3 =	vand.u32 $0x7, v3  }
0x80: {  	v3 =	vor.u32 v3, v4  }
0x81: {  	v4 =	vperm.xlane v3, v0;
	_ =	sdelay $0x1  }
0x82: {  	v4 =	vadd.s32 v1, v4;
	_ =	sdelay $0x1  }
0x83: {  	v3 =	vperm.xlane v3, v2;
	_ =	sdelay $0x1  }
0x84: {  	v3 =	vadd.s32 v1, v3  }
0x85: {  	[tilespmem:s23], [sflag:$0x1] =	stream.indirect_vreg.gather [hbm4b:s1+s3], $0x80, v4, vm0, $0xb8;
	[tilespmem:$0xC080] =	vst v63  }
0x86: {  	_ = 	snop  }
0x87: {  	[tilespmem:s24], [sflag:$0x1] =	stream.indirect_vreg.gather [hbm4b:s4+s3], $0x80, v4, vm1, $0xb8;
	[tilespmem:$0xC080] =	vst v63  }
0x88: {  	_ = 	snop  }
0x89: {  	[tilespmem:s25], [sflag:$0x1] =	stream.indirect_vreg.gather [hbm4b:s1+s3], $0x80, v3, vm0, $0xb8;
	[tilespmem:$0xC080] =	vst v63  }
0x8a: {  	_ = 	snop  }
0x8b: {  	[tilespmem:s26], [sflag:$0x1] =	stream.indirect_vreg.gather [hbm4b:s4+s3], $0x80, v3, vm1, $0xb8;
	[tilespmem:$0xC080] =	vst v63  }
0x8c: {  	v3 =	vld [tilespmem:$0x70];
	_ =	sdelay $0x4  }
0x8d: {  	v63 =	vshrl.u32 v3, $0x3  }
0x8e: {  	v4 =	vmul.u32 $0x18, v63  }
0x8f: {  	v3 =	vand.u32 $0x7, v3  }
0x90: {  	v3 =	vor.u32 v3, v4  }
0x91: {  	v4 =	vperm.xlane v3, v0;
	_ =	sdelay $0x1  }
0x92: {  	v4 =	vadd.s32 v1, v4;
	_ =	sdelay $0x1  }
0x93: {  	v3 =	vperm.xlane v3, v2;
	_ =	sdelay $0x1  }
0x94: {  	v3 =	vadd.s32 v1, v3  }
0x95: {  	[tilespmem:s28], [sflag:$0x1] =	stream.indirect_vreg.gather [hbm4b:s1+s3], $0x80, v4, vm0, $0xb8;
	[tilespmem:$0xC080] =	vst v63  }
0x96: {  	_ = 	snop  }
0x97: {  	[tilespmem:s29], [sflag:$0x1] =	stream.indirect_vreg.gather [hbm4b:s4+s3], $0x80, v4, vm1, $0xb8;
	[tilespmem:$0xC080] =	vst v63  }
0x98: {  	_ = 	snop  }
0x99: {  	[tilespmem:s30], [sflag:$0x1] =	stream.indirect_vreg.gather [hbm4b:s1+s3], $0x80, v3, vm0, $0xb8;
	[tilespmem:$0xC080] =	vst v63  }
0x9a: {  	_ = 	snop  }
0x9b: {  	[tilespmem:s31], [sflag:$0x1] =	stream.indirect_vreg.gather [hbm4b:s4+s3], $0x80, v3, vm1, $0xb8;
	[tilespmem:$0xC080] =	vst v63  }
0x9c: {  	_ =	swait.ge [sflag:s2], $0xC000  }
0x9d: {  	p0 =	sne.s32 s5, $0x1;
	[sflag:s2] =	ssyncset.done $0x0  }
.Ltmp0:
0x9e: {  	s8 =	rddreg [dreg:$0x5];
	[sflag:s2] =	ssyncadd.s32 $0xFFFF4000;
	(pc) =	sbr.rel @p0 .LBB2_1-.Ltmp0, $4  }
0x9f: {  	[hbm4b:s8+s3] =	stream.linear.scatter [tilespmem:s7], [sflag:$0x2], $0xC000, $0x38;
	[tilespmem:$0xC080] =	vst v63  }
0xa0: {  	_ =	swait.ge [sflag:s6], $0xC000  }
0xa1: {  	[sflag:s6] =	ssyncset.done $0x0  }
0xa2: {  	s5 =	sadd.s32 $0xFFFFFFFF, s5;
	[sflag:s6] =	ssyncadd.s32 $0xFFFF4000  }
0xa3: {  	_ =	sfence.sel $0x180000  }
0xa4: {  	[bflag:$0x0] =	sbarrier.arrive $0xFFFF  }
0xa5: {  	_ =	strace $0x9000004D  }
0xa6: {  	s0 =	stileid.u32;
	[bflag:$0x2] =	sbarrier.arrive $0xFFFF  }
0xa7: {  	p0 =	sne.s32 s0, $0x0;
	s0 =	rddreg [dreg:$0x3]  }
0xa8: {  	s0 =	sadd.s32 @!p0 $0x100000, s0  }
0xa9: {  	[sflag:s0] =	ssyncadd.tile.s32 @!p0 $0x1;
	_ =	shalt  }
.Lfunc_end2:
_tile_overlayer_lowered:
.L_overlay_start_2:
0xaa: {  	(tag) =	ssettag $0x2  }
0xab: {  	s0 =	rddreg [dreg:$0x0];
	s2 =	stileid.u32  }
0xac: {  	s1 =	rddreg [dreg:$0x1];
	p0 =	sne.s32 s2, $0x0  }
0xad: {  	s3 =	rddreg [dreg:$0x2];
	[bflag:$0x3] =	sbarrier.arrive $0xFFFF;
	s2 =	simm.s32 @!p0 $0x1C02  }
0xae: {  	[timem:s3], [sflag:s2] =	dma.local @!p0 [hbm:s0], s1  }
0xaf: {  	s0 =	simm.s32 @!p0 $0x2  }
0xb0: {  	_ =	swait.ge @!p0 [sflag:s0], s1  }
0xb1: {  	s1 =	ssub.s32 @!p0 $0x0, s1;
	[sflag:s0] =	ssyncset.done @!p0 $0x0  }
0xb2: {  	[sflag:s0] =	ssyncadd.s32 @!p0 s1  }
0xb3: {  	[bflag:$0x3] =	sbarrier.arrive $0xFFFF  }
0xb4: {  	_ =	shalt  }

// kernel: kernel.14.cloned.1.call-start
scs
__scs_entry_jumppad:
0x0: {  	(pc) =	sbr.rel $0x88, $3  }
0x1: {  	(tag) =	ssettag $0x0;
	lr =	simm.s32 $0x1  }
0x2: {  	[smem:$0x3F9B] =	sst lr;
	_ =	strace $0xD0000000  }
0x3: {  	_ = 	snop  }
0x4: {  	_ = 	snop  }
0x5: {  	_ = 	snop  }
0x6: {  	_ = 	snop  }
0x7: {  	_ = 	snop  }
__scs_overlays_trampoline_lowered:
0x8: {  	[smem:$0x3FAA] =	sst s0  }
0x9: {  	[smem:$0x3FAB] =	sst s1  }
0xa: {  	[smem:$0x3FAC] =	sst s2  }
0xb: {  	[smem:$0x3FAD] =	sst s3  }
0xc: {  	[smem:$0x3FAE] =	sst s4  }
0xd: {  	[smem:$0x3FAF] =	sst s5  }
0xe: {  	[smem:$0x3FB0] =	sst s6  }
0xf: {  	[smem:$0x3FB1] =	sst s7  }
0x10: {  	[smem:$0x3FB2] =	sst s8  }
0x11: {  	[smem:$0x3FB3] =	sst s9;
	s0 =	simm.s32 @!p0 $0x0  }
0x12: {  	s1 =	sld [smem:$0x3F99];
	s0 =	simm.s32 @p0 $0x1  }
0x13: {  	[smem:$0x3FB4] =	sst s0;
	s0 =	simm.s32 @!p1 $0x0  }
0x14: {  	s2 =	sld [smem:$0x3F98];
	s0 =	simm.s32 @p1 $0x1  }
0x15: {  	[smem:$0x3FB5] =	sst s0;
	s0 =	simm.s32 @!p2 $0x0  }
0x16: {  	s3 =	sld [smem:$0x3FDB];
	s0 =	simm.s32 @p2 $0x1  }
0x17: {  	s4 =	simm.s32 $0x1BF5;
	[smem:$0x3FB7] =	sst s0  }
0x18: {  	s0 =	sld [smem:$0x3F9A];
	_ =	swait.ge [sflag:s4], $0x0  }
0x19: {  	s7 =	sld [smem:$0x3F9B]  }
0x1a: {  	s8 =	sadd.s32 $0xFFFFE003, lr  }
0x1b: {  	s9 =	sadd.s32 $0xFFFFFEF7, lr;
	s5 =	simm.s32 $0xFFFFFFFF;
	p2 =	slt.u32 s8, $0xFFFFF086  }
0x1c: {  	p1 =	slt.u32 s9, $0xF7A;
	s5 =	simm.s32 @!p2 $0x0  }
0x1d: {  	s5 =	simm.s32 @p1 $0x1;
	p0 =	seq.s32 s7, s2  }
0x1e: {  	s7 =	smul.u32 @!p0 $0xF7A, s2;
	p2 =	seq.s32 @!p0 s5, $0x0  }
0x1f: {  	s9 =	smul.u32 $0xF7A, s1;
	s8 =	simm.s32 @!p0 $0x1BF5;
	p2 =	por !p2, p0  }
0x20: {  	[sflag:s8] =	ssyncset.s32 @!p0 $0xFFFFF086;
	s6 =	sadd.s32 @!p0 s3, s7;
	s7 =	simm.s32 @!p0 $0x108  }
0x21: {  	s3 =	sadd.s32 s3, s9;
	s6 =	sadd.s32 @!p0 $0x88, s6;
	s7 =	simm.s32 @p2 $0x1082  }
0x22: {  	[simem:s7], [sflag:s8] =	dma.local @!p0 [hbm:s6], $0xF7A  }
0x23: {  	s9 =	sor.u32 $0xD0000000, s2;
	s6 =	simm.s32 $0x108;
	_ =	swait.ge @!p0 [sflag:s8], $0x0  }
0x24: {  	s3 =	sadd.s32 $0x88, s3;
	s6 =	simm.s32 @!p1 $0x1082;
	[sflag:s4] =	ssyncset.s32 $0xFFFFF086  }
0x25: {  	[simem:s6], [sflag:s4] =	dma.local [hbm:s3], $0xF7A  }
0x26: {  	[smem:$0x3F9B] =	sst s1;
	(tag) =	ssettag s2;
	_ =	strace s9  }
0x27: {  	s1 =	sld [smem:$0x3FAB]  }
0x28: {  	s2 =	sld [smem:$0x3FAC]  }
0x29: {  	s4 =	sld [smem:$0x3FAE]  }
0x2a: {  	p0 =	seq.s32 s5, $0x0;
	s5 =	sld [smem:$0x3FAF]  }
0x2b: {  	s6 =	sld [smem:$0x3FB0]  }
0x2c: {  	s7 =	sld [smem:$0x3FB1]  }
0x2d: {  	s3 =	simm.s32 $0x108;
	s8 =	sld [smem:$0x3FB2]  }
0x2e: {  	s3 =	simm.s32 @!p0 $0x1082;
	s9 =	sld [smem:$0x3FB3]  }
0x2f: {  	lr =	sadd.s32 s0, s3;
	s0 =	sld [smem:$0x3FAA]  }
0x30: {  	s3 =	sld [smem:$0x3FAD]  }
0x31: {  	[smem:$0x3FB6] =	sst s10  }
0x32: {  	s10 =	sld [smem:$0x3FB4];
	_ =	sdelay $0x3  }
0x33: {  	p0 =	seq.s32 s10, $0x1;
	s10 =	sld [smem:$0x3FB6];
	_ =	sdelay $0x3  }
0x34: {  	[smem:$0x3FB6] =	sst s10  }
0x35: {  	s10 =	sld [smem:$0x3FB5];
	_ =	sdelay $0x3  }
0x36: {  	p1 =	seq.s32 s10, $0x1;
	s10 =	sld [smem:$0x3FB6];
	_ =	sdelay $0x3  }
0x37: {  	[smem:$0x3FB6] =	sst s10  }
0x38: {  	s10 =	sld [smem:$0x3FB7]  }
0x39: {  	_ = 	snop;
	(pc) =	sbr.ind lr, $3  }
0x3a: {  	_ = 	snop  }
0x3b: {  	_ = 	snop  }
0x3c: {  	p2 =	seq.s32 s10, $0x1;
	s10 =	sld [smem:$0x3FB6]  }
0x3d: {  	_ =	shalt  }
0x3e: {  	_ =	shalt  }
0x3f: {  	_ =	shalt  }
0x40: {  	_ =	shalt  }
0x41: {  	_ =	shalt  }
0x42: {  	_ =	shalt  }
0x43: {  	_ =	shalt  }
0x44: {  	_ =	shalt  }
0x45: {  	_ =	shalt  }
0x46: {  	_ =	shalt  }
0x47: {  	_ =	shalt  }
0x48: {  	_ =	shalt  }
0x49: {  	_ =	shalt  }
0x4a: {  	_ =	shalt  }
0x4b: {  	_ =	shalt  }
0x4c: {  	_ =	shalt  }
0x4d: {  	_ =	shalt  }
0x4e: {  	_ =	shalt  }
0x4f: {  	_ =	shalt  }
0x50: {  	_ =	shalt  }
0x51: {  	_ =	shalt  }
0x52: {  	_ =	shalt  }
0x53: {  	_ =	shalt  }
0x54: {  	_ =	shalt  }
0x55: {  	_ =	shalt  }
0x56: {  	_ =	shalt  }
0x57: {  	_ =	shalt  }
0x58: {  	_ =	shalt  }
0x59: {  	_ =	shalt  }
0x5a: {  	_ =	shalt  }
0x5b: {  	_ =	shalt  }
0x5c: {  	_ =	shalt  }
0x5d: {  	_ =	shalt  }
0x5e: {  	_ =	shalt  }
0x5f: {  	_ =	shalt  }
0x60: {  	_ =	shalt  }
0x61: {  	_ =	shalt  }
0x62: {  	_ =	shalt  }
0x63: {  	_ =	shalt  }
0x64: {  	_ =	shalt  }
0x65: {  	_ =	shalt  }
0x66: {  	_ =	shalt  }
0x67: {  	_ =	shalt  }
0x68: {  	_ =	shalt  }
0x69: {  	_ =	shalt  }
0x6a: {  	_ =	shalt  }
0x6b: {  	_ =	shalt  }
0x6c: {  	_ =	shalt  }
0x6d: {  	_ =	shalt  }
0x6e: {  	_ =	shalt  }
0x6f: {  	_ =	shalt  }
0x70: {  	_ =	shalt  }
0x71: {  	_ =	shalt  }
0x72: {  	_ =	shalt  }
0x73: {  	_ =	shalt  }
0x74: {  	_ =	shalt  }
0x75: {  	_ =	shalt  }
0x76: {  	_ =	shalt  }
0x77: {  	_ =	shalt  }
0x78: {  	_ =	shalt  }
0x79: {  	_ =	shalt  }
0x7a: {  	_ =	shalt  }
0x7b: {  	_ =	shalt  }
0x7c: {  	_ =	shalt  }
0x7d: {  	_ =	shalt  }
0x7e: {  	_ =	shalt  }
0x7f: {  	_ =	shalt  }
0x80: {  	_ =	shalt  }
0x81: {  	_ =	shalt  }
0x82: {  	_ =	shalt  }
0x83: {  	_ =	shalt  }
0x84: {  	_ =	shalt  }
0x85: {  	_ =	shalt  }
0x86: {  	_ =	shalt  }
0x87: {  	_ =	shalt  }
.Lfunc_end0:
.L_simem_size_0:
called_computation.2_lowered:
.L_overlay_start_0:
0x88: {  	s2 =	sld [smem:$0x3FD9]  }
0x89: {  	s3 =	sld [smem:$0x3FFE];
	_ =	sdelay $0x1  }
0x8a: {  	s1 =	srdreg.scid  }
0x8b: {  	s0 =	sand.u32 $0x1, s1  }
0x8c: {  	s15 =	sshll.u32 s0, $0xA;
	s2 =	sadd.s32 s3, s2  }
0x8d: {  	s2 =	sadd.s32 s2, s15  }
0x8e: {  	[smem:$0x3FC2] =	sst s2  }
0x8f: {  	_ = 	snop  }
0x90: {  	s16 =	sld [smem:$0x3FD0];
	_ =	sdelay $0x2  }
0x91: {  	s4 =	simm.s32 $0xC;
	s5 =	simm.s32 $0x10;
	s2 =	sld [smem:$0x3FC4]  }
0x92: {  	[smem:s5], [sflag:s4] =	dma.local [hbm:s16], $0x1  }
0x93: {  	_ =	swait.eq [sflag:s4], $0x1  }
0x94: {  	[sflag:s4] =	ssyncset.done $0x0  }
0x95: {  	[sflag:s4] =	ssyncadd.s32 $0xFFFFFFFF  }
0x96: {  	s17 =	sld [smem:$0x16];
	(tm) =	ssettm $0x1  }
0x97: {  	s18 =	sld [smem:$0x3FFB];
	_ =	sdelay $0x3  }
0x98: {  	_ =	strace s18  }
0x99: {  	s3 =	sld [smem:$0x3FFC];
	_ =	sdelay $0x3  }
0x9a: {  	_ =	strace s3  }
0x9b: {  	s3 =	sld [smem:$0x3FFD];
	_ =	sdelay $0x3  }
0x9c: {  	_ =	strace s3  }
0x9d: {  	_ =	strace $0x8FFFFFFF  }
0x9e: {  	s19 =	sld [smem:$0x3FDB];
	_ =	sdelay $0x1  }
0x9f: {  	s20 =	simm.s32 $_scs_section_size  }
0xa0: {  	s6 =	simm.s32 $_size__tile_overlayer_lowered;
	s7 =	simm.s32 $_tile_overlayer_lowered  }
0xa1: {  	s8 =	simm.s32 $0x1BFF;
	s21 =	sshll.u32 s7, $0x1;
	s5 =	sadd.s32 s20, s19  }
0xa2: {  	s22 =	simm.s32 $0x0;
	s6 =	sshll.u32 s6, $0x1;
	s7 =	sadd.s32 s21, s5  }
0xa3: {  	[timem:s22], [sflag:s8] =	dma.local [hbm:s7], s6  }
0xa4: {  	_ =	swait.ge [sflag:s8], s6  }
0xa5: {  	s6 =	ssub.s32 $0x0, s6;
	[sflag:s8] =	ssyncset.done $0x0  }
0xa6: {  	[sflag:s8] =	ssyncadd.s32 s6;
	_ =	sdelay $0x1  }
0xa7: {  	s23 =	simm.s32 $0x1B8B  }
0xa8: {  	_ =	swait.ge [sflag:s23], $0x1  }
0xa9: {  	[sflag:s23] =	ssyncset.done $0x0  }
0xaa: {  	[sflag:s23] =	ssyncadd.s32 $0xFFFFFFFF  }
0xab: {  	s6 =	sld [smem:$0x0]  }
0xac: {  	s7 =	sand.u32 $0xFFFFFFFE, s1  }
0xad: {  	p0 =	sne.s32 s1, s7  }
0xae: {  	s7 =	sshll.u32 @p0 s7, $0xE  }
0xaf: {  	s7 =	sadd.s32 @p0 $0x11B8D, s7;
	s8 =	sshll.u32 @p0 s6, $0x11  }
0xb0: {  	s7 =	sor.u32 @p0 s8, s7  }
0xb1: {  	[sflag:s7] =	ssyncadd.remote.s32 @p0 $0x1;
	_ =	sdelay $0x1  }
0xb2: {  	s7 =	simm.s32 @p0 $0x1B8D  }
0xb3: {  	_ =	swait.eq @p0 [sflag:s7], $0x1  }
0xb4: {  	[sflag:s7] =	ssyncadd.s32 @p0 $0xFFFFFFFF  }
0xb5: {  	s8 =	sshll.u32 @!p0 s1, $0xE  }
0xb6: {  	s8 =	sor.u32 @!p0 $0x4000, s8;
	s7 =	simm.s32 @!p0 $0x1B8D  }
0xb7: {  	s6 =	sshll.u32 @!p0 s6, $0x11;
	s8 =	sadd.s32 @!p0 $0x11B8D, s8;
	_ =	swait.eq @!p0 [sflag:s7], $0x1  }
0xb8: {  	s6 =	sor.u32 @!p0 s6, s8;
	[sflag:s7] =	ssyncadd.s32 @!p0 $0xFFFFFFFF  }
0xb9: {  	s25 =	simm.s32 $0x1B8E;
	s24 =	sld [smem:$0x3FFE];
	[sflag:s6] =	ssyncadd.remote.s32 @!p0 $0x1  }
0xba: {  	s26 =	simm.s32 $execute0_lowered;
	[smem:$0x3FD2] =	sst s25  }
0xbb: {  	s7 =	sshll.u32 s26, $0x1;
	_ =	strace $0x80000049;
	[dreg:$0x1] =	wrdreg $0xFFFFFFFF  }
0xbc: {  	s28 =	simm.s32 $_size_execute0_lowered;
	s5 =	sadd.s32 s5, s7;
	[dreg:$0x0] =	wrdreg $0x0  }
0xbd: {  	s7 =	sshll.u32 s28, $0x1;
	[dreg:$0x2] =	wrdreg s5  }
0xbe: {  	[dreg:$0x3] =	wrdreg s7  }
0xbf: {  	[dreg:$0x4] =	wrdreg $0xC0  }
0xc0: {  	_ =	task [dreg:s22], $0x5FFFF  }
0xc1: {  	[dreg:$0x1] =	wrdreg $0xFFFFFFFF  }
0xc2: {  	[dreg:$0x0] =	wrdreg $0x60  }
0xc3: {  	[dreg:$0x2] =	wrdreg s2  }
0xc4: {  	[dreg:$0x3] =	wrdreg s24  }
0xc5: {  	[dreg:$0x4] =	wrdreg s17  }
0xc6: {  	[dreg:$0x5] =	wrdreg $0xB  }
0xc7: {  	_ =	task.clear_ibuf [dreg:s22], $0x6FFFF;
	_ =	strace $0x90000049  }
0xc8: {  	s29 =	simm.s32 $0xB;
	_ =	strace $0x8000004B  }
0xc9: {  	_ =	swait.ge [sflag:s29], $0x1  }
0xca: {  	[sflag:s29] =	ssyncadd.s32 $0xFFFFFFFF  }
0xcb: {  	_ =	strace $0x9000004B  }
0xcc: {  	_ =	sfence  }
0xcd: {  	s30 =	sld [smem:$0x0];
	_ =	sdelay $0x2  }
0xce: {  	s31 =	sshll.u32 s1, $0xD;
	s1 =	sshrl.u32 s1, $0x2  }
0xcf: {  	s4 =	sand.u32 $0x4000, s31;
	s1 =	sadd.s32 s1, s30  }
0xd0: {  	s0 =	sor.u32 s4, s0;
	s1 =	sshll.u32 s1, $0x11  }
0xd1: {  	s0 =	sor.u32 s1, s0  }
0xd2: {  	s0 =	sadd.s32 $0x8F2B, s0  }
0xd3: {  	[sflag:s0] =	ssyncadd.remote.s32 $0x1  }
0xd4: {  	_ =	sfence.sel $0xFFFF  }
0xd5: {  	[dreg:$0x0] =	wrdreg $0xFFFFFFFF;
	(pc) =	sbr.abs _section_cstart, $3  }
0xd6: {  	[dreg:$0x1] =	wrdreg $0xFFFFFFFF  }
0xd7: {  	_ =	task.clear_ibuf [dreg:s22], $0x2FFFF;
	_ =	strace $0x9FFFFFFF  }
0xd8: {  	(tm) =	ssettm $0x7FFFFFFF  }
0xd9: {  	_ =	shalt  }
tec
execute0_lowered:
.L_overlay_start_1:
0x0: {  	(tag) =	ssettag $0x1  }
0x1: {  	s1 =	rddreg [dreg:$0x0];
	s2 =	srdreg.scid  }
0x2: {  	s4 =	rddreg [dreg:$0x1];
	s0 =	stileid.u32  }
0x3: {  	s5 =	rddreg [dreg:$0x2];
	s3 =	simm.s32 $0x0;
	s18 =	simm.s32 $0x880  }
0x4: {  	s19 =	simm.s32 $0xC80;
	s20 =	simm.s32 $0x1480;
	s21 =	simm.s32 $0x1880  }
0x5: {  	s23 =	simm.s32 $0x2080;
	s24 =	simm.s32 $0x2480;
	s25 =	simm.s32 $0x2C80  }
0x6: {  	s26 =	simm.s32 $0x3080;
	s9 =	simm.s32 $0x3C80;
	[smem:$0x7FF] =	sst s3  }
0x7: {  	s10 =	simm.s32 $0x4480;
	_ =	strace $0x8000004A;
	[dreg:$0x6] =	wrdreg s18  }
0x8: {  	s11 =	simm.s32 $0x4880;
	s12 =	simm.s32 $0x5080;
	[dreg:$0x7] =	wrdreg s19  }
0x9: {  	s13 =	simm.s32 $0x5480;
	s14 =	simm.s32 $0x5C80;
	[dreg:$0x8] =	wrdreg s20  }
0xa: {  	s15 =	simm.s32 $0x6080;
	s16 =	simm.s32 $0x6880;
	[dreg:$0x9] =	wrdreg s21  }
0xb: {  	s28 =	simm.s32 $0xA880;
	s29 =	simm.s32 $0xB080;
	[dreg:$0xa] =	wrdreg s23  }
0xc: {  	s30 =	simm.s32 $0xB480;
	s31 =	simm.s32 $0xBC80;
	[dreg:$0xb] =	wrdreg s24  }
0xd: {  	s2 =	sand.u32 $0x1, s2;
	s6 =	sshll.u32 s0, $0x5;
	[dreg:$0xc] =	wrdreg s25  }
0xe: {  	s7 =	sshll.u32 s2, $0x4;
	s2 =	ssub.s32 $0x2, s2;
	[dreg:$0xd] =	wrdreg s26  }
0xf: {  	s18 =	simm.s32 $0x7480;
	s19 =	simm.s32 $0x7880;
	s20 =	simm.s32 $0x8080  }
0x10: {  	s21 =	simm.s32 $0x8480;
	s23 =	simm.s32 $0x9080;
	s24 =	simm.s32 $0x9880  }
0x11: {  	s25 =	simm.s32 $0x9C80;
	s26 =	simm.s32 $0xA480;
	s6 =	sor.u32 s7, s6  }
0x12: {  	s22 =	sshrl.u32 s2, $0x1;
	s4 =	sadd.s32 s6, s4;
	s6 =	smul.u32 $0x180, s6  }
0x13: {  	s7 =	simm.s32 $0x80;
	s2 =	ssub.s32 s2, s22;
	s4 =	sadd.s32 $0xC800, s4  }
0x14: {  	v2 =	vlaneseq.u32;
	s22 =	simm.s32 $0x8C80;
	[dreg:$0x4] =	wrdreg s4;
	s17 =	sadd.s32 s5, s6  }
0x15: {  	vm0 =	vmmov $0xffff;
	vm1 =	vmmov $0xff;
	v1 =	vshrl.u32 v2, $0x3;
	s4 =	sadd.s32 $0x100, s1;
	s5 =	smax.u32 s2, $0x1;
	s6 =	simm.s32 $0x2  }
0x16: {  	v0 =	vand.u32 $0x7, v2;
	v2 =	vor.u32 $0x8, v2;
	v1 =	vmul.u32 $0x8, v1;
	s2 =	simm.s32 $0x1;
	[dreg:$0x5] =	wrdreg s17;
	s17 =	simm.s32 $0x6C80  }
.LBB2_1:
0x17: {  	s0 =	rddreg [dreg:$0x4]  }
0x18: {  	[tilespmem:s3], [sflag:$0x2] =	stream.linear.gather [hbm4b:s0+s3], $0x80, $0x38;
	[tilespmem:$0xC080] =	vst v63  }
0x19: {  	_ =	swait.ge [sflag:s6], $0x80  }
0x1a: {  	[sflag:s6] =	ssyncset.done $0x0  }
0x1b: {  	[sflag:s6] =	ssyncadd.s32 $0xFFFFFF80  }
0x1c: {  	v3 =	vld [tilespmem:$0x0];
	_ =	sdelay $0x4  }
0x1d: {  	v4 =	vshrl.u32 v3, $0x3  }
0x1e: {  	v4 =	vmul.u32 $0x18, v4  }
0x1f: {  	v3 =	vand.u32 $0x7, v3  }
0x20: {  	v3 =	vor.u32 v3, v4  }
0x21: {  	v4 =	vperm.xlane v3, v0;
	_ =	sdelay $0x1  }
0x22: {  	v4 =	vadd.s32 v1, v4;
	_ =	sdelay $0x1  }
0x23: {  	v3 =	vperm.xlane v3, v2;
	_ =	sdelay $0x1  }
0x24: {  	v3 =	vadd.s32 v1, v3  }
0x25: {  	[tilespmem:s7], [sflag:$0x1] =	stream.indirect_vreg.gather [hbm4b:s1+s3], $0x80, v4, vm0, $0xb8;
	[tilespmem:$0xC080] =	vst v63  }
0x26: {  	s0 =	rddreg [dreg:$0x6]  }
0x27: {  	[tilespmem:s0], [sflag:$0x1] =	stream.indirect_vreg.gather [hbm4b:s4+s3], $0x80, v4, vm1, $0xb8;
	[tilespmem:$0xC080] =	vst v63  }
0x28: {  	s8 =	rddreg [dreg:$0x7]  }
0x29: {  	[tilespmem:s8], [sflag:$0x1] =	stream.indirect_vreg.gather [hbm4b:s1+s3], $0x80, v3, vm0, $0xb8;
	[tilespmem:$0xC080] =	vst v63  }
0x2a: {  	s0 =	rddreg [dreg:$0x8]  }
0x2b: {  	[tilespmem:s0], [sflag:$0x1] =	stream.indirect_vreg.gather [hbm4b:s4+s3], $0x80, v3, vm1, $0xb8;
	[tilespmem:$0xC080] =	vst v63  }
0x2c: {  	v3 =	vld [tilespmem:$0x10];
	_ =	sdelay $0x4  }
0x2d: {  	v57 =	vshrl.u32 v3, $0x3  }
0x2e: {  	v4 =	vmul.u32 $0x18, v57  }
0x2f: {  	v3 =	vand.u32 $0x7, v3  }
0x30: {  	v3 =	vor.u32 v3, v4  }
0x31: {  	v4 =	vperm.xlane v3, v0;
	_ =	sdelay $0x1  }
0x32: {  	v4 =	vadd.s32 v1, v4;
	_ =	sdelay $0x1  }
0x33: {  	v3 =	vperm.xlane v3, v2;
	_ =	sdelay $0x1  }
0x34: {  	s0 =	rddreg [dreg:$0x9];
	v3 =	vadd.s32 v1, v3  }
0x35: {  	[tilespmem:s0], [sflag:$0x1] =	stream.indirect_vreg.gather [hbm4b:s1+s3], $0x80, v4, vm0, $0xb8;
	[tilespmem:$0xC080] =	vst v63  }
0x36: {  	s8 =	rddreg [dreg:$0xa]  }
0x37: {  	[tilespmem:s8], [sflag:$0x1] =	stream.indirect_vreg.gather [hbm4b:s4+s3], $0x80, v4, vm1, $0xb8;
	[tilespmem:$0xC080] =	vst v63  }
0x38: {  	s0 =	rddreg [dreg:$0xb]  }
0x39: {  	[tilespmem:s0], [sflag:$0x1] =	stream.indirect_vreg.gather [hbm4b:s1+s3], $0x80, v3, vm0, $0xb8;
	[tilespmem:$0xC080] =	vst v63  }
0x3a: {  	s8 =	rddreg [dreg:$0xc]  }
0x3b: {  	[tilespmem:s8], [sflag:$0x1] =	stream.indirect_vreg.gather [hbm4b:s4+s3], $0x80, v3, vm1, $0xb8;
	[tilespmem:$0xC080] =	vst v63  }
0x3c: {  	v3 =	vld [tilespmem:$0x20];
	_ =	sdelay $0x4  }
0x3d: {  	v58 =	vshrl.u32 v3, $0x3  }
0x3e: {  	v4 =	vmul.u32 $0x18, v58  }
0x3f: {  	v3 =	vand.u32 $0x7, v3  }
0x40: {  	v3 =	vor.u32 v3, v4  }
0x41: {  	v4 =	vperm.xlane v3, v0;
	_ =	sdelay $0x1  }
0x42: {  	v4 =	vadd.s32 v1, v4;
	_ =	sdelay $0x1  }
0x43: {  	v3 =	vperm.xlane v3, v2;
	_ =	sdelay $0x1  }
0x44: {  	s8 =	rddreg [dreg:$0xd];
	v3 =	vadd.s32 v1, v3  }
0x45: {  	[tilespmem:s8], [sflag:$0x1] =	stream.indirect_vreg.gather [hbm4b:s1+s3], $0x80, v4, vm0, $0xb8;
	[tilespmem:$0xC080] =	vst v63  }
0x46: {  	s8 =	simm.s32 $0x3880  }
0x47: {  	[tilespmem:s8], [sflag:$0x1] =	stream.indirect_vreg.gather [hbm4b:s4+s3], $0x80, v4, vm1, $0xb8;
	[tilespmem:$0xC080] =	vst v63  }
0x48: {  	_ = 	snop  }
0x49: {  	[tilespmem:s9], [sflag:$0x1] =	stream.indirect_vreg.gather [hbm4b:s1+s3], $0x80, v3, vm0, $0xb8;
	[tilespmem:$0xC080] =	vst v63  }
0x4a: {  	_ = 	snop  }
0x4b: {  	[tilespmem:s10], [sflag:$0x1] =	stream.indirect_vreg.gather [hbm4b:s4+s3], $0x80, v3, vm1, $0xb8;
	[tilespmem:$0xC080] =	vst v63  }
0x4c: {  	v3 =	vld [tilespmem:$0x30];
	_ =	sdelay $0x4  }
0x4d: {  	v59 =	vshrl.u32 v3, $0x3  }
0x4e: {  	v4 =	vmul.u32 $0x18, v59  }
0x4f: {  	v3 =	vand.u32 $0x7, v3  }
0x50: {  	v3 =	vor.u32 v3, v4  }
0x51: {  	v4 =	vperm.xlane v3, v0;
	_ =	sdelay $0x1  }
0x52: {  	v4 =	vadd.s32 v1, v4;
	_ =	sdelay $0x1  }
0x53: {  	v3 =	vperm.xlane v3, v2;
	_ =	sdelay $0x1  }
0x54: {  	v3 =	vadd.s32 v1, v3  }
0x55: {  	[tilespmem:s11], [sflag:$0x1] =	stream.indirect_vreg.gather [hbm4b:s1+s3], $0x80, v4, vm0, $0xb8;
	[tilespmem:$0xC080] =	vst v63  }
0x56: {  	_ = 	snop  }
0x57: {  	[tilespmem:s12], [sflag:$0x1] =	stream.indirect_vreg.gather [hbm4b:s4+s3], $0x80, v4, vm1, $0xb8;
	[tilespmem:$0xC080] =	vst v63  }
0x58: {  	_ = 	snop  }
0x59: {  	[tilespmem:s13], [sflag:$0x1] =	stream.indirect_vreg.gather [hbm4b:s1+s3], $0x80, v3, vm0, $0xb8;
	[tilespmem:$0xC080] =	vst v63  }
0x5a: {  	_ = 	snop  }
0x5b: {  	[tilespmem:s14], [sflag:$0x1] =	stream.indirect_vreg.gather [hbm4b:s4+s3], $0x80, v3, vm1, $0xb8;
	[tilespmem:$0xC080] =	vst v63  }
0x5c: {  	v3 =	vld [tilespmem:$0x40];
	_ =	sdelay $0x4  }
0x5d: {  	v60 =	vshrl.u32 v3, $0x3  }
0x5e: {  	v4 =	vmul.u32 $0x18, v60  }
0x5f: {  	v3 =	vand.u32 $0x7, v3  }
0x60: {  	v3 =	vor.u32 v3, v4  }
0x61: {  	v4 =	vperm.xlane v3, v0;
	_ =	sdelay $0x1  }
0x62: {  	v4 =	vadd.s32 v1, v4;
	_ =	sdelay $0x1  }
0x63: {  	v3 =	vperm.xlane v3, v2;
	_ =	sdelay $0x1  }
0x64: {  	v3 =	vadd.s32 v1, v3  }
0x65: {  	[tilespmem:s15], [sflag:$0x1] =	stream.indirect_vreg.gather [hbm4b:s1+s3], $0x80, v4, vm0, $0xb8;
	[tilespmem:$0xC080] =	vst v63  }
0x66: {  	_ = 	snop  }
0x67: {  	[tilespmem:s16], [sflag:$0x1] =	stream.indirect_vreg.gather [hbm4b:s4+s3], $0x80, v4, vm1, $0xb8;
	[tilespmem:$0xC080] =	vst v63  }
0x68: {  	_ = 	snop  }
0x69: {  	[tilespmem:s17], [sflag:$0x1] =	stream.indirect_vreg.gather [hbm4b:s1+s3], $0x80, v3, vm0, $0xb8;
	[tilespmem:$0xC080] =	vst v63  }
0x6a: {  	_ = 	snop  }
0x6b: {  	[tilespmem:s18], [sflag:$0x1] =	stream.indirect_vreg.gather [hbm4b:s4+s3], $0x80, v3, vm1, $0xb8;
	[tilespmem:$0xC080] =	vst v63  }
0x6c: {  	v3 =	vld [tilespmem:$0x50];
	_ =	sdelay $0x4  }
0x6d: {  	v61 =	vshrl.u32 v3, $0x3  }
0x6e: {  	v4 =	vmul.u32 $0x18, v61  }
0x6f: {  	v3 =	vand.u32 $0x7, v3  }
0x70: {  	v3 =	vor.u32 v3, v4  }
0x71: {  	v4 =	vperm.xlane v3, v0;
	_ =	sdelay $0x1  }
0x72: {  	v4 =	vadd.s32 v1, v4;
	_ =	sdelay $0x1  }
0x73: {  	v3 =	vperm.xlane v3, v2;
	_ =	sdelay $0x1  }
0x74: {  	v3 =	vadd.s32 v1, v3  }
0x75: {  	[tilespmem:s19], [sflag:$0x1] =	stream.indirect_vreg.gather [hbm4b:s1+s3], $0x80, v4, vm0, $0xb8;
	[tilespmem:$0xC080] =	vst v63  }
0x76: {  	_ = 	snop  }
0x77: {  	[tilespmem:s20], [sflag:$0x1] =	stream.indirect_vreg.gather [hbm4b:s4+s3], $0x80, v4, vm1, $0xb8;
	[tilespmem:$0xC080] =	vst v63  }
0x78: {  	_ = 	snop  }
0x79: {  	[tilespmem:s21], [sflag:$0x1] =	stream.indirect_vreg.gather [hbm4b:s1+s3], $0x80, v3, vm0, $0xb8;
	[tilespmem:$0xC080] =	vst v63  }
0x7a: {  	_ = 	snop  }
0x7b: {  	[tilespmem:s22], [sflag:$0x1] =	stream.indirect_vreg.gather [hbm4b:s4+s3], $0x80, v3, vm1, $0xb8;
	[tilespmem:$0xC080] =	vst v63  }
0x7c: {  	v3 =	vld [tilespmem:$0x60];
	_ =	sdelay $0x4  }
0x7d: {  	v62 =	vshrl.u32 v3, $0x3  }
0x7e: {  	v4 =	vmul.u32 $0x18, v62  }
0x7f: {  	v3 =	vand.u32 $0x7, v3  }
0x80: {  	v3 =	vor.u32 v3, v4  }
0x81: {  	v4 =	vperm.xlane v3, v0;
	_ =	sdelay $0x1  }
0x82: {  	v4 =	vadd.s32 v1, v4;
	_ =	sdelay $0x1  }
0x83: {  	v3 =	vperm.xlane v3, v2;
	_ =	sdelay $0x1  }
0x84: {  	v3 =	vadd.s32 v1, v3  }
0x85: {  	[tilespmem:s23], [sflag:$0x1] =	stream.indirect_vreg.gather [hbm4b:s1+s3], $0x80, v4, vm0, $0xb8;
	[tilespmem:$0xC080] =	vst v63  }
0x86: {  	_ = 	snop  }
0x87: {  	[tilespmem:s24], [sflag:$0x1] =	stream.indirect_vreg.gather [hbm4b:s4+s3], $0x80, v4, vm1, $0xb8;
	[tilespmem:$0xC080] =	vst v63  }
0x88: {  	_ = 	snop  }
0x89: {  	[tilespmem:s25], [sflag:$0x1] =	stream.indirect_vreg.gather [hbm4b:s1+s3], $0x80, v3, vm0, $0xb8;
	[tilespmem:$0xC080] =	vst v63  }
0x8a: {  	_ = 	snop  }
0x8b: {  	[tilespmem:s26], [sflag:$0x1] =	stream.indirect_vreg.gather [hbm4b:s4+s3], $0x80, v3, vm1, $0xb8;
	[tilespmem:$0xC080] =	vst v63  }
0x8c: {  	v3 =	vld [tilespmem:$0x70];
	_ =	sdelay $0x4  }
0x8d: {  	v63 =	vshrl.u32 v3, $0x3  }
0x8e: {  	v4 =	vmul.u32 $0x18, v63  }
0x8f: {  	v3 =	vand.u32 $0x7, v3  }
0x90: {  	v3 =	vor.u32 v3, v4  }
0x91: {  	v4 =	vperm.xlane v3, v0;
	_ =	sdelay $0x1  }
0x92: {  	v4 =	vadd.s32 v1, v4;
	_ =	sdelay $0x1  }
0x93: {  	v3 =	vperm.xlane v3, v2;
	_ =	sdelay $0x1  }
0x94: {  	v3 =	vadd.s32 v1, v3  }
0x95: {  	[tilespmem:s28], [sflag:$0x1] =	stream.indirect_vreg.gather [hbm4b:s1+s3], $0x80, v4, vm0, $0xb8;
	[tilespmem:$0xC080] =	vst v63  }
0x96: {  	_ = 	snop  }
0x97: {  	[tilespmem:s29], [sflag:$0x1] =	stream.indirect_vreg.gather [hbm4b:s4+s3], $0x80, v4, vm1, $0xb8;
	[tilespmem:$0xC080] =	vst v63  }
0x98: {  	_ = 	snop  }
0x99: {  	[tilespmem:s30], [sflag:$0x1] =	stream.indirect_vreg.gather [hbm4b:s1+s3], $0x80, v3, vm0, $0xb8;
	[tilespmem:$0xC080] =	vst v63  }
0x9a: {  	_ = 	snop  }
0x9b: {  	[tilespmem:s31], [sflag:$0x1] =	stream.indirect_vreg.gather [hbm4b:s4+s3], $0x80, v3, vm1, $0xb8;
	[tilespmem:$0xC080] =	vst v63  }
0x9c: {  	_ =	swait.ge [sflag:s2], $0xC000  }
0x9d: {  	p0 =	sne.s32 s5, $0x1;
	[sflag:s2] =	ssyncset.done $0x0  }
.Ltmp0:
0x9e: {  	s8 =	rddreg [dreg:$0x5];
	[sflag:s2] =	ssyncadd.s32 $0xFFFF4000;
	(pc) =	sbr.rel @p0 .LBB2_1-.Ltmp0, $4  }
0x9f: {  	[hbm4b:s8+s3] =	stream.linear.scatter [tilespmem:s7], [sflag:$0x2], $0xC000, $0x38;
	[tilespmem:$0xC080] =	vst v63  }
0xa0: {  	_ =	swait.ge [sflag:s6], $0xC000  }
0xa1: {  	[sflag:s6] =	ssyncset.done $0x0  }
0xa2: {  	s5 =	sadd.s32 $0xFFFFFFFF, s5;
	[sflag:s6] =	ssyncadd.s32 $0xFFFF4000  }
0xa3: {  	_ =	sfence.sel $0x180000  }
0xa4: {  	[bflag:$0x0] =	sbarrier.arrive $0xFFFF  }
0xa5: {  	_ =	strace $0x9000004A  }
0xa6: {  	s0 =	stileid.u32;
	[bflag:$0x2] =	sbarrier.arrive $0xFFFF  }
0xa7: {  	p0 =	sne.s32 s0, $0x0;
	s0 =	rddreg [dreg:$0x3]  }
0xa8: {  	s0 =	sadd.s32 @!p0 $0x100000, s0  }
0xa9: {  	[sflag:s0] =	ssyncadd.tile.s32 @!p0 $0x1;
	_ =	shalt  }
.Lfunc_end2:
_tile_overlayer_lowered:
.L_overlay_start_2:
0xaa: {  	(tag) =	ssettag $0x2  }
0xab: {  	s0 =	rddreg [dreg:$0x0];
	s2 =	stileid.u32  }
0xac: {  	s1 =	rddreg [dreg:$0x1];
	p0 =	sne.s32 s2, $0x0  }
0xad: {  	s3 =	rddreg [dreg:$0x2];
	[bflag:$0x3] =	sbarrier.arrive $0xFFFF;
	s2 =	simm.s32 @!p0 $0x1C02  }
0xae: {  	[timem:s3], [sflag:s2] =	dma.local @!p0 [hbm:s0], s1  }
0xaf: {  	s0 =	simm.s32 @!p0 $0x2  }
0xb0: {  	_ =	swait.ge @!p0 [sflag:s0], s1  }
0xb1: {  	s1 =	ssub.s32 @!p0 $0x0, s1;
	[sflag:s0] =	ssyncset.done @!p0 $0x0  }
0xb2: {  	[sflag:s0] =	ssyncadd.s32 @!p0 s1  }
0xb3: {  	[bflag:$0x3] =	sbarrier.arrive $0xFFFF  }
0xb4: {  	_ =	shalt  }

// kernel: kernel.8.cloned.1.call-start
scs
__scs_entry_jumppad:
0x0: {  	(pc) =	sbr.rel $0x88, $3  }
0x1: {  	(tag) =	ssettag $0x0;
	lr =	simm.s32 $0x1  }
0x2: {  	[smem:$0x3F9B] =	sst lr;
	_ =	strace $0xD0000000  }
0x3: {  	_ = 	snop  }
0x4: {  	_ = 	snop  }
0x5: {  	_ = 	snop  }
0x6: {  	_ = 	snop  }
0x7: {  	_ = 	snop  }
__scs_overlays_trampoline_lowered:
0x8: {  	[smem:$0x3FAA] =	sst s0  }
0x9: {  	[smem:$0x3FAB] =	sst s1  }
0xa: {  	[smem:$0x3FAC] =	sst s2  }
0xb: {  	[smem:$0x3FAD] =	sst s3  }
0xc: {  	[smem:$0x3FAE] =	sst s4  }
0xd: {  	[smem:$0x3FAF] =	sst s5  }
0xe: {  	[smem:$0x3FB0] =	sst s6  }
0xf: {  	[smem:$0x3FB1] =	sst s7  }
0x10: {  	[smem:$0x3FB2] =	sst s8  }
0x11: {  	[smem:$0x3FB3] =	sst s9;
	s0 =	simm.s32 @!p0 $0x0  }
0x12: {  	s1 =	sld [smem:$0x3F99];
	s0 =	simm.s32 @p0 $0x1  }
0x13: {  	[smem:$0x3FB4] =	sst s0;
	s0 =	simm.s32 @!p1 $0x0  }
0x14: {  	s2 =	sld [smem:$0x3F98];
	s0 =	simm.s32 @p1 $0x1  }
0x15: {  	[smem:$0x3FB5] =	sst s0;
	s0 =	simm.s32 @!p2 $0x0  }
0x16: {  	s3 =	sld [smem:$0x3FDB];
	s0 =	simm.s32 @p2 $0x1  }
0x17: {  	s4 =	simm.s32 $0x1BF5;
	[smem:$0x3FB7] =	sst s0  }
0x18: {  	s0 =	sld [smem:$0x3F9A];
	_ =	swait.ge [sflag:s4], $0x0  }
0x19: {  	s7 =	sld [smem:$0x3F9B]  }
0x1a: {  	s8 =	sadd.s32 $0xFFFFE003, lr  }
0x1b: {  	s9 =	sadd.s32 $0xFFFFFEF7, lr;
	s5 =	simm.s32 $0xFFFFFFFF;
	p2 =	slt.u32 s8, $0xFFFFF086  }
0x1c: {  	p1 =	slt.u32 s9, $0xF7A;
	s5 =	simm.s32 @!p2 $0x0  }
0x1d: {  	s5 =	simm.s32 @p1 $0x1;
	p0 =	seq.s32 s7, s2  }
0x1e: {  	s7 =	smul.u32 @!p0 $0xF7A, s2;
	p2 =	seq.s32 @!p0 s5, $0x0  }
0x1f: {  	s9 =	smul.u32 $0xF7A, s1;
	s8 =	simm.s32 @!p0 $0x1BF5;
	p2 =	por !p2, p0  }
0x20: {  	[sflag:s8] =	ssyncset.s32 @!p0 $0xFFFFF086;
	s6 =	sadd.s32 @!p0 s3, s7;
	s7 =	simm.s32 @!p0 $0x108  }
0x21: {  	s3 =	sadd.s32 s3, s9;
	s6 =	sadd.s32 @!p0 $0x88, s6;
	s7 =	simm.s32 @p2 $0x1082  }
0x22: {  	[simem:s7], [sflag:s8] =	dma.local @!p0 [hbm:s6], $0xF7A  }
0x23: {  	s9 =	sor.u32 $0xD0000000, s2;
	s6 =	simm.s32 $0x108;
	_ =	swait.ge @!p0 [sflag:s8], $0x0  }
0x24: {  	s3 =	sadd.s32 $0x88, s3;
	s6 =	simm.s32 @!p1 $0x1082;
	[sflag:s4] =	ssyncset.s32 $0xFFFFF086  }
0x25: {  	[simem:s6], [sflag:s4] =	dma.local [hbm:s3], $0xF7A  }
0x26: {  	[smem:$0x3F9B] =	sst s1;
	(tag) =	ssettag s2;
	_ =	strace s9  }
0x27: {  	s1 =	sld [smem:$0x3FAB]  }
0x28: {  	s2 =	sld [smem:$0x3FAC]  }
0x29: {  	s4 =	sld [smem:$0x3FAE]  }
0x2a: {  	p0 =	seq.s32 s5, $0x0;
	s5 =	sld [smem:$0x3FAF]  }
0x2b: {  	s6 =	sld [smem:$0x3FB0]  }
0x2c: {  	s7 =	sld [smem:$0x3FB1]  }
0x2d: {  	s3 =	simm.s32 $0x108;
	s8 =	sld [smem:$0x3FB2]  }
0x2e: {  	s3 =	simm.s32 @!p0 $0x1082;
	s9 =	sld [smem:$0x3FB3]  }
0x2f: {  	lr =	sadd.s32 s0, s3;
	s0 =	sld [smem:$0x3FAA]  }
0x30: {  	s3 =	sld [smem:$0x3FAD]  }
0x31: {  	[smem:$0x3FB6] =	sst s10  }
0x32: {  	s10 =	sld [smem:$0x3FB4];
	_ =	sdelay $0x3  }
0x33: {  	p0 =	seq.s32 s10, $0x1;
	s10 =	sld [smem:$0x3FB6];
	_ =	sdelay $0x3  }
0x34: {  	[smem:$0x3FB6] =	sst s10  }
0x35: {  	s10 =	sld [smem:$0x3FB5];
	_ =	sdelay $0x3  }
0x36: {  	p1 =	seq.s32 s10, $0x1;
	s10 =	sld [smem:$0x3FB6];
	_ =	sdelay $0x3  }
0x37: {  	[smem:$0x3FB6] =	sst s10  }
0x38: {  	s10 =	sld [smem:$0x3FB7]  }
0x39: {  	_ = 	snop;
	(pc) =	sbr.ind lr, $3  }
0x3a: {  	_ = 	snop  }
0x3b: {  	_ = 	snop  }
0x3c: {  	p2 =	seq.s32 s10, $0x1;
	s10 =	sld [smem:$0x3FB6]  }
0x3d: {  	_ =	shalt  }
0x3e: {  	_ =	shalt  }
0x3f: {  	_ =	shalt  }
0x40: {  	_ =	shalt  }
0x41: {  	_ =	shalt  }
0x42: {  	_ =	shalt  }
0x43: {  	_ =	shalt  }
0x44: {  	_ =	shalt  }
0x45: {  	_ =	shalt  }
0x46: {  	_ =	shalt  }
0x47: {  	_ =	shalt  }
0x48: {  	_ =	shalt  }
0x49: {  	_ =	shalt  }
0x4a: {  	_ =	shalt  }
0x4b: {  	_ =	shalt  }
0x4c: {  	_ =	shalt  }
0x4d: {  	_ =	shalt  }
0x4e: {  	_ =	shalt  }
0x4f: {  	_ =	shalt  }
0x50: {  	_ =	shalt  }
0x51: {  	_ =	shalt  }
0x52: {  	_ =	shalt  }
0x53: {  	_ =	shalt  }
0x54: {  	_ =	shalt  }
0x55: {  	_ =	shalt  }
0x56: {  	_ =	shalt  }
0x57: {  	_ =	shalt  }
0x58: {  	_ =	shalt  }
0x59: {  	_ =	shalt  }
0x5a: {  	_ =	shalt  }
0x5b: {  	_ =	shalt  }
0x5c: {  	_ =	shalt  }
0x5d: {  	_ =	shalt  }
0x5e: {  	_ =	shalt  }
0x5f: {  	_ =	shalt  }
0x60: {  	_ =	shalt  }
0x61: {  	_ =	shalt  }
0x62: {  	_ =	shalt  }
0x63: {  	_ =	shalt  }
0x64: {  	_ =	shalt  }
0x65: {  	_ =	shalt  }
0x66: {  	_ =	shalt  }
0x67: {  	_ =	shalt  }
0x68: {  	_ =	shalt  }
0x69: {  	_ =	shalt  }
0x6a: {  	_ =	shalt  }
0x6b: {  	_ =	shalt  }
0x6c: {  	_ =	shalt  }
0x6d: {  	_ =	shalt  }
0x6e: {  	_ =	shalt  }
0x6f: {  	_ =	shalt  }
0x70: {  	_ =	shalt  }
0x71: {  	_ =	shalt  }
0x72: {  	_ =	shalt  }
0x73: {  	_ =	shalt  }
0x74: {  	_ =	shalt  }
0x75: {  	_ =	shalt  }
0x76: {  	_ =	shalt  }
0x77: {  	_ =	shalt  }
0x78: {  	_ =	shalt  }
0x79: {  	_ =	shalt  }
0x7a: {  	_ =	shalt  }
0x7b: {  	_ =	shalt  }
0x7c: {  	_ =	shalt  }
0x7d: {  	_ =	shalt  }
0x7e: {  	_ =	shalt  }
0x7f: {  	_ =	shalt  }
0x80: {  	_ =	shalt  }
0x81: {  	_ =	shalt  }
0x82: {  	_ =	shalt  }
0x83: {  	_ =	shalt  }
0x84: {  	_ =	shalt  }
0x85: {  	_ =	shalt  }
0x86: {  	_ =	shalt  }
0x87: {  	_ =	shalt  }
.Lfunc_end0:
.L_simem_size_0:
called_computation_lowered:
.L_overlay_start_0:
0x88: {  	s2 =	sld [smem:$0x3FD9]  }
0x89: {  	s3 =	sld [smem:$0x3FFE];
	_ =	sdelay $0x1  }
0x8a: {  	s1 =	srdreg.scid  }
0x8b: {  	s0 =	sand.u32 $0x1, s1  }
0x8c: {  	s14 =	sshll.u32 s0, $0xA;
	s2 =	sadd.s32 s3, s2  }
0x8d: {  	s2 =	sadd.s32 s2, s14  }
0x8e: {  	[smem:$0x3FC2] =	sst s2  }
0x8f: {  	_ = 	snop  }
0x90: {  	s2 =	sld [smem:$0x3FD0];
	_ =	sdelay $0x2  }
0x91: {  	s4 =	simm.s32 $0xC;
	s5 =	simm.s32 $0x10;
	s15 =	sld [smem:$0x3FC6]  }
0x92: {  	[smem:s5], [sflag:s4] =	dma.local [hbm:s2], $0x1  }
0x93: {  	_ =	swait.eq [sflag:s4], $0x1  }
0x94: {  	[sflag:s4] =	ssyncset.done $0x0  }
0x95: {  	[sflag:s4] =	ssyncadd.s32 $0xFFFFFFFF  }
0x96: {  	s16 =	sld [smem:$0x14];
	(tm) =	ssettm $0x1  }
0x97: {  	s17 =	sld [smem:$0x3FFB];
	_ =	sdelay $0x3  }
0x98: {  	_ =	strace s17  }
0x99: {  	s4 =	sld [smem:$0x3FFC];
	_ =	sdelay $0x3  }
0x9a: {  	_ =	strace s4  }
0x9b: {  	s4 =	sld [smem:$0x3FFD];
	_ =	sdelay $0x3  }
0x9c: {  	_ =	strace s4  }
0x9d: {  	_ =	strace $0x8FFFFFFF  }
0x9e: {  	s18 =	sld [smem:$0x3FDB];
	_ =	sdelay $0x1  }
0x9f: {  	s19 =	simm.s32 $_scs_section_size  }
0xa0: {  	s6 =	simm.s32 $_size__tile_overlayer_lowered;
	s7 =	simm.s32 $_tile_overlayer_lowered  }
0xa1: {  	s22 =	simm.s32 $0x1BFF;
	s21 =	sshll.u32 s7, $0x1;
	s4 =	sadd.s32 s19, s18  }
0xa2: {  	s8 =	simm.s32 $0x0;
	s20 =	sshll.u32 s6, $0x1;
	s6 =	sadd.s32 s21, s4  }
0xa3: {  	[timem:s8], [sflag:s22] =	dma.local [hbm:s6], s20  }
0xa4: {  	_ =	swait.ge [sflag:s22], s20  }
0xa5: {  	s5 =	ssub.s32 $0x0, s20;
	[sflag:s22] =	ssyncset.done $0x0  }
0xa6: {  	[sflag:s22] =	ssyncadd.s32 s5;
	_ =	sdelay $0x1  }
0xa7: {  	s23 =	simm.s32 $0x1B8B  }
0xa8: {  	_ =	swait.ge [sflag:s23], $0x1  }
0xa9: {  	[sflag:s23] =	ssyncset.done $0x0  }
0xaa: {  	s25 =	simm.s32 $0x1B8E;
	s24 =	sld [smem:$0x3FFE];
	[sflag:s23] =	ssyncadd.s32 $0xFFFFFFFF  }
0xab: {  	s26 =	simm.s32 $execute0_lowered;
	[smem:$0x3FD2] =	sst s25  }
0xac: {  	s6 =	sshll.u32 s26, $0x1;
	_ =	strace $0x80000046;
	[dreg:$0x1] =	wrdreg $0xFFFFFFFF  }
0xad: {  	s28 =	simm.s32 $_size_execute0_lowered;
	s4 =	sadd.s32 s4, s6;
	[dreg:$0x0] =	wrdreg $0x0  }
0xae: {  	s6 =	sshll.u32 s28, $0x1;
	[dreg:$0x2] =	wrdreg s4  }
0xaf: {  	[dreg:$0x3] =	wrdreg s6  }
0xb0: {  	[dreg:$0x4] =	wrdreg $0xC0  }
0xb1: {  	_ =	task [dreg:s8], $0x5FFFF  }
0xb2: {  	[dreg:$0x1] =	wrdreg $0xFFFFFFFF  }
0xb3: {  	[dreg:$0x0] =	wrdreg $0x60  }
0xb4: {  	[dreg:$0x2] =	wrdreg s15  }
0xb5: {  	[dreg:$0x3] =	wrdreg s16  }
0xb6: {  	[dreg:$0x4] =	wrdreg s24  }
0xb7: {  	[dreg:$0x5] =	wrdreg $0x9  }
0xb8: {  	_ =	task.clear_ibuf [dreg:s8], $0x6FFFF;
	_ =	strace $0x90000046  }
0xb9: {  	s29 =	simm.s32 $0x9;
	_ =	strace $0x80000048  }
0xba: {  	_ =	swait.ge [sflag:s29], $0x1  }
0xbb: {  	[sflag:s29] =	ssyncadd.s32 $0xFFFFFFFF  }
0xbc: {  	_ =	strace $0x90000048  }
0xbd: {  	_ =	sfence  }
0xbe: {  	s30 =	sld [smem:$0x0];
	_ =	sdelay $0x2  }
0xbf: {  	s31 =	sshll.u32 s1, $0xD;
	s1 =	sshrl.u32 s1, $0x2  }
0xc0: {  	s3 =	sand.u32 $0x4000, s31;
	s1 =	sadd.s32 s1, s30  }
0xc1: {  	s0 =	sor.u32 s3, s0;
	s1 =	sshll.u32 s1, $0x11  }
0xc2: {  	s0 =	sor.u32 s1, s0  }
0xc3: {  	s0 =	sadd.s32 $0x8F2B, s0  }
0xc4: {  	[sflag:s0] =	ssyncadd.remote.s32 $0x1  }
0xc5: {  	_ =	sfence.sel $0xFFFF  }
0xc6: {  	[dreg:$0x0] =	wrdreg $0xFFFFFFFF;
	(pc) =	sbr.abs _section_cstart, $3  }
0xc7: {  	[dreg:$0x1] =	wrdreg $0xFFFFFFFF  }
0xc8: {  	_ =	task.clear_ibuf [dreg:s8], $0x2FFFF;
	_ =	strace $0x9FFFFFFF  }
0xc9: {  	(tm) =	ssettm $0x7FFFFFFF  }
tec
execute0_lowered:
.L_overlay_start_1:
0x0: {  	(tag) =	ssettag $0x1  }
0x1: {  	s1 =	rddreg [dreg:$0x0]  }
0x2: {  	s2 =	srdreg.scid;
	s5 =	rddreg [dreg:$0x1]  }
0x3: {  	s0 =	stileid.u32;
	s6 =	rddreg [dreg:$0x2]  }
0x4: {  	s9 =	simm.s32 $0x80;
	s10 =	simm.s32 $0x880;
	s11 =	simm.s32 $0xC80  }
0x5: {  	s12 =	simm.s32 $0x1480;
	s13 =	simm.s32 $0x1880;
	s4 =	sand.u32 $0x1, s2  }
0x6: {  	s14 =	simm.s32 $0x2080;
	s30 =	sshll.u32 s0, $0x3;
	s3 =	sshll.u32 s4, $0x2  }
0x7: {  	s15 =	simm.s32 $0x2480;
	s16 =	simm.s32 $0x2C80;
	s7 =	sor.u32 s3, s30  }
0x8: {  	s2 =	rddreg [dreg:$0x3];
	s3 =	simm.s32 $0x0;
	s8 =	smul.u32 $0x180, s7  }
0x9: {  	s17 =	simm.s32 $0x1;
	s4 =	ssub.s32 $0x2, s4;
	[smem:$0x7FF] =	sst s3  }
0xa: {  	v2 =	vlaneseq.u32;
	s31 =	sshrl.u32 s4, $0x1;
	_ =	strace $0x80000047;
	s6 =	sadd.s32 s8, s6  }
0xb: {  	vm0 =	vmmov $0xffff;
	vm1 =	vmmov $0xff;
	v1 =	vshrl.u32 v2, $0x3;
	s8 =	ssub.s32 s4, s31;
	s4 =	sadd.s32 s5, s7;
	s5 =	sadd.s32 $0x100, s1  }
0xc: {  	v0 =	vand.u32 $0x7, v2;
	v2 =	vor.u32 $0x8, v2;
	v1 =	vmul.u32 $0x8, v1;
	s6 =	sadd.s32 $0x800, s6;
	s7 =	smax.u32 s8, $0x1;
	s8 =	simm.s32 $0x2  }
.LBB2_1:
0xd: {  	[tilespmem:s3], [sflag:$0x2] =	stream.linear.gather [hbm4b:s4+s3], $0x20, $0x38;
	[tilespmem:$0x3080] =	vst v63  }
0xe: {  	_ =	swait.ge [sflag:s8], $0x20  }
0xf: {  	[sflag:s8] =	ssyncset.done $0x0  }
0x10: {  	[sflag:s8] =	ssyncadd.s32 $0xFFFFFFE0  }
0x11: {  	v3 =	vld [tilespmem:$0x0];
	_ =	sdelay $0x4  }
0x12: {  	v4 =	vshrl.u32 v3, $0x3  }
0x13: {  	v4 =	vmul.u32 $0x18, v4  }
0x14: {  	v3 =	vand.u32 $0x7, v3  }
0x15: {  	v3 =	vor.u32 v3, v4  }
0x16: {  	v4 =	vperm.xlane v3, v0;
	_ =	sdelay $0x1  }
0x17: {  	v4 =	vadd.s32 v1, v4;
	_ =	sdelay $0x1  }
0x18: {  	v3 =	vperm.xlane v3, v2;
	_ =	sdelay $0x1  }
0x19: {  	v3 =	vadd.s32 v1, v3  }
0x1a: {  	[tilespmem:s9], [sflag:$0x1] =	stream.indirect_vreg.gather [hbm4b:s1+s3], $0x80, v4, vm0, $0xb8;
	[tilespmem:$0x3080] =	vst v63  }
0x1b: {  	_ = 	snop  }
0x1c: {  	[tilespmem:s10], [sflag:$0x1] =	stream.indirect_vreg.gather [hbm4b:s5+s3], $0x80, v4, vm1, $0xb8;
	[tilespmem:$0x3080] =	vst v63  }
0x1d: {  	_ = 	snop  }
0x1e: {  	[tilespmem:s11], [sflag:$0x1] =	stream.indirect_vreg.gather [hbm4b:s1+s3], $0x80, v3, vm0, $0xb8;
	[tilespmem:$0x3080] =	vst v63  }
0x1f: {  	_ = 	snop  }
0x20: {  	[tilespmem:s12], [sflag:$0x1] =	stream.indirect_vreg.gather [hbm4b:s5+s3], $0x80, v3, vm1, $0xb8;
	[tilespmem:$0x3080] =	vst v63  }
0x21: {  	v3 =	vld [tilespmem:$0x10];
	_ =	sdelay $0x4  }
0x22: {  	v63 =	vshrl.u32 v3, $0x3  }
0x23: {  	v4 =	vmul.u32 $0x18, v63  }
0x24: {  	v3 =	vand.u32 $0x7, v3  }
0x25: {  	v3 =	vor.u32 v3, v4  }
0x26: {  	v4 =	vperm.xlane v3, v0;
	_ =	sdelay $0x1  }
0x27: {  	v4 =	vadd.s32 v1, v4;
	_ =	sdelay $0x1  }
0x28: {  	v3 =	vperm.xlane v3, v2;
	_ =	sdelay $0x1  }
0x29: {  	v3 =	vadd.s32 v1, v3  }
0x2a: {  	[tilespmem:s13], [sflag:$0x1] =	stream.indirect_vreg.gather [hbm4b:s1+s3], $0x80, v4, vm0, $0xb8;
	[tilespmem:$0x3080] =	vst v63  }
0x2b: {  	_ = 	snop  }
0x2c: {  	[tilespmem:s14], [sflag:$0x1] =	stream.indirect_vreg.gather [hbm4b:s5+s3], $0x80, v4, vm1, $0xb8;
	[tilespmem:$0x3080] =	vst v63  }
0x2d: {  	_ = 	snop  }
0x2e: {  	[tilespmem:s15], [sflag:$0x1] =	stream.indirect_vreg.gather [hbm4b:s1+s3], $0x80, v3, vm0, $0xb8;
	[tilespmem:$0x3080] =	vst v63  }
0x2f: {  	_ = 	snop  }
0x30: {  	[tilespmem:s16], [sflag:$0x1] =	stream.indirect_vreg.gather [hbm4b:s5+s3], $0x80, v3, vm1, $0xb8;
	[tilespmem:$0x3080] =	vst v63  }
0x31: {  	_ =	swait.ge [sflag:s17], $0x3000  }
0x32: {  	p0 =	sne.s32 s7, $0x1;
	[sflag:s17] =	ssyncset.done $0x0  }
.Ltmp0:
0x33: {  	[sflag:s17] =	ssyncadd.s32 $0xFFFFD000;
	(pc) =	sbr.rel @p0 .LBB2_1-.Ltmp0, $4  }
0x34: {  	[hbm4b:s6+s3] =	stream.linear.scatter [tilespmem:s9], [sflag:$0x2], $0x3000, $0x38;
	[tilespmem:$0x3080] =	vst v63  }
0x35: {  	_ =	swait.ge [sflag:s8], $0x3000  }
0x36: {  	[sflag:s8] =	ssyncset.done $0x0  }
0x37: {  	s7 =	sadd.s32 $0xFFFFFFFF, s7;
	[sflag:s8] =	ssyncadd.s32 $0xFFFFD000  }
0x38: {  	_ =	sfence.sel $0x180000  }
0x39: {  	[bflag:$0x0] =	sbarrier.arrive $0xFFFF  }
0x3a: {  	p0 =	sne.s32 s0, $0x0;
	_ =	strace $0x90000047  }
0x3b: {  	s0 =	sadd.s32 @!p0 $0x100000, s2;
	[bflag:$0x2] =	sbarrier.arrive $0xFFFF  }
0x3c: {  	[sflag:s0] =	ssyncadd.tile.s32 @!p0 $0x1;
	_ =	shalt  }
.Lfunc_end2:
_tile_overlayer_lowered:
.L_overlay_start_2:
0x3d: {  	(tag) =	ssettag $0x2  }
0x3e: {  	s0 =	rddreg [dreg:$0x0];
	s2 =	stileid.u32  }
0x3f: {  	s1 =	rddreg [dreg:$0x1];
	p0 =	sne.s32 s2, $0x0  }
0x40: {  	s3 =	rddreg [dreg:$0x2];
	[bflag:$0x3] =	sbarrier.arrive $0xFFFF;
	s2 =	simm.s32 @!p0 $0x1C02  }
0x41: {  	[timem:s3], [sflag:s2] =	dma.local @!p0 [hbm:s0], s1  }
0x42: {  	s0 =	simm.s32 @!p0 $0x2  }
0x43: {  	_ =	swait.ge @!p0 [sflag:s0], s1  }
0x44: {  	s1 =	ssub.s32 @!p0 $0x0, s1;
	[sflag:s0] =	ssyncset.done @!p0 $0x0  }
0x45: {  	[sflag:s0] =	ssyncadd.s32 @!p0 s1  }
0x46: {  	[bflag:$0x3] =	sbarrier.arrive $0xFFFF  }
0x47: {  	_ =	shalt  }

</sc_bundles>
